<compile_context>
chip_gen: v7x
topology: tpu7x:2x2x1
jax: 0.10.2.dev20260603
libtpu: 0.0.44.dev20260713+nightly
codegen_flags: <defaults>
</compile_context>

<pallas_src>
import functools

import jax
import jax.numpy as jnp
from jax.experimental import pallas as pl
from jax.experimental.pallas import tpu as pltpu
from jax.experimental.pallas import tpu_sc as plsc

_NE = 16
_TBLK = 1024
_NC = 2
_NS = 16
_NW = _NC * _NS


def _silu(v):
    return v * jax.nn.sigmoid(v)


def _logits_body(x_ref, rw_ref, lg_ref):
    lg_ref[...] = jax.lax.dot_general(
        x_ref[...], rw_ref[...], (((1,), (1,)), ((), ())),
        preferred_element_type=jnp.float32)


def _coef_sc_body(per_w, lg_hbm, coef_hbm, lg_v, coef_v):
    wid = jax.lax.axis_index("s") * _NC + jax.lax.axis_index("c")
    base = wid * per_w
    pltpu.sync_copy(lg_hbm.at[pl.ds(base, per_w)], lg_v)

    iota = jax.lax.iota(jnp.int32, 16)
    ninf = jnp.full((16,), -jnp.inf, jnp.float32)
    zeros = jnp.zeros((16,), jnp.float32)

    def body(gi, carry):
        tok = gi * 16 + iota
        m1, m2 = ninf, ninf
        i1 = jnp.zeros((16,), jnp.int32)
        i2 = jnp.zeros((16,), jnp.int32)
        for e in range(_NE):
            v = plsc.load_gather(lg_v, [tok, jnp.full((16,), e, jnp.int32)])
            new_top = v > m1
            second = jnp.logical_and(v > m2, jnp.logical_not(new_top))
            m2 = jnp.where(new_top, m1, jnp.where(second, v, m2))
            i2 = jnp.where(new_top, i1, jnp.where(second, e, i2))
            m1 = jnp.where(new_top, v, m1)
            i1 = jnp.where(new_top, e, i1)
        g1 = 1.0 / (1.0 + jnp.exp(m2 - m1))
        for j in range(16):
            coef_v[gi * 16 + j, :] = zeros
        plsc.store_scatter(coef_v, [tok, i1], g1)
        plsc.store_scatter(coef_v, [tok, i2], 1.0 - g1)
        return carry

    jax.lax.fori_loop(0, per_w // 16, body, 0)
    pltpu.sync_copy(coef_v, coef_hbm.at[pl.ds(base, per_w)])


def _moe_body(nblk, x_ref, coef_ref, w1_ref, w3_ref, w2_ref, out_ref,
              s_ref, w1b_ref, w3b_ref):
    i = pl.program_id(0)

    @pl.when(i == 0)
    def _init():
        s_ref[...] = jnp.zeros_like(s_ref)
        w1b_ref[...] = w1_ref[...].astype(jnp.bfloat16)
        w3b_ref[...] = w3_ref[...].astype(jnp.bfloat16)

    xb = x_ref[...]
    coef = coef_ref[...]

    xbf = xb.astype(jnp.bfloat16)
    a = jax.lax.dot_general(xbf, w1b_ref[...], (((1,), (1,)), ((), ())),
                            preferred_element_type=jnp.float32)
    a = _silu(a).astype(jnp.bfloat16)
    h = jax.lax.dot_general(a, w3b_ref[...], (((1,), (1,)), ((), ())),
                            preferred_element_type=jnp.float32)
    g = _silu(h)

    s_ref[...] += jax.lax.dot_general(coef, g, (((0,), (0,)), ((), ())),
                                      preferred_element_type=jnp.float32)

    out_ref[...] = jnp.zeros_like(out_ref)

    @pl.when(i == nblk - 1)
    def _final():
        rows = jax.lax.dot_general(s_ref[...], w2_ref[...],
                                   (((1,), (1,)), ((), ())),
                                   preferred_element_type=jnp.float32)
        out_ref[0:_NE, :] = rows


def kernel(x, w1, w2, w3, router_w):
    b, s, d = x.shape
    xf = x.reshape(-1, d)
    n_tok = xf.shape[0]
    nblk = n_tok // _TBLK
    per_w = n_tok // _NW

    lg = pl.pallas_call(
        _logits_body,
        grid=(nblk,),
        in_specs=[
            pl.BlockSpec((_TBLK, d), lambda i: (i, 0)),
            pl.BlockSpec((_NE, d), lambda i: (0, 0)),
        ],
        out_specs=pl.BlockSpec((_TBLK, _NE), lambda i: (i, 0)),
        out_shape=jax.ShapeDtypeStruct((n_tok, _NE), jnp.float32),
    )(xf, router_w)

    coef = pl.kernel(
        functools.partial(_coef_sc_body, per_w),
        out_type=jax.ShapeDtypeStruct((n_tok, _NE), jnp.float32),
        mesh=plsc.VectorSubcoreMesh(core_axis_name="c", subcore_axis_name="s"),
        compiler_params=pltpu.CompilerParams(needs_layout_passes=False),
        scratch_types=[
            pltpu.VMEM((per_w, _NE), jnp.float32),
            pltpu.VMEM((per_w, _NE), jnp.float32),
        ],
    )(lg)

    out = pl.pallas_call(
        functools.partial(_moe_body, nblk),
        grid=(nblk,),
        in_specs=[
            pl.BlockSpec((_TBLK, d), lambda i: ((i + 1) % nblk, 0)),
            pl.BlockSpec((_TBLK, _NE), lambda i: ((i + 1) % nblk, 0)),
            pl.BlockSpec((d, d), lambda i: (0, 0)),
            pl.BlockSpec((d, d), lambda i: (0, 0)),
            pl.BlockSpec((d, d), lambda i: (0, 0)),
        ],
        out_specs=pl.BlockSpec((_TBLK, d), lambda i: ((i + 1) % nblk, 0)),
        out_shape=jax.ShapeDtypeStruct((n_tok, d), jnp.float32),
        scratch_shapes=[
            pltpu.VMEM((_NE, d), jnp.float32),
            pltpu.VMEM((d, d), jnp.bfloat16),
            pltpu.VMEM((d, d), jnp.bfloat16),
        ],
        compiler_params=pltpu.CompilerParams(
            dimension_semantics=("arbitrary",)),
    )(xf, coef, w1, w3, w2)
    return out.reshape(b, s, d)

# --- scband reference (transcript-rebuilt; emitter-appended) ---
"""Pipeline reference for scband-mo-elayer-31559419691511 (READ-ONLY COPY).

The authoritative reference and input builder live on the scoring server;
editing this copy changes nothing except your own understanding.
"""

import jax, jax.numpy as jnp
import numpy as np

DIM = 1024
MOE_INTER = 1024
N_EXPERTS = 16
NUM_LOCAL_EXPERTS = N_EXPERTS  # world_size = 1
TOP_K = min(2, NUM_LOCAL_EXPERTS)  # min(n_activated_experts, num_local_experts)


def setup_inputs(seed: int = 0) -> dict:
    key = jax.random.key(seed)
    ks = jax.random.split(key, 5)
    x = jax.random.normal(ks[0], (1, 4096, DIM), dtype=jnp.float32)
    # nn.Linear weights: Linear(in, out) has weight [out, in]
    w1 = jax.random.normal(ks[1], (MOE_INTER, DIM), dtype=jnp.float32) * 0.02  # ColumnParallelLinear(dim, moe_inter)
    w3 = jax.random.normal(ks[2], (MOE_INTER, DIM), dtype=jnp.float32) * 0.02  # ColumnParallelLinear(dim, moe_inter)
    w2 = jax.random.normal(ks[3], (DIM, MOE_INTER), dtype=jnp.float32) * 0.02  # RowParallelLinear(moe_inter, dim)
    router_w = jax.random.normal(ks[4], (N_EXPERTS, DIM), dtype=jnp.float32) * 0.02  # router Linear(dim, n_routed_experts)
    return {"x": x, "w1": w1, "w2": w2, "w3": w3, "router_w": router_w}


def reference(x, w1, w2, w3, router_w):
    b, s, d = x.shape
    xf = x.reshape(-1, d)
    route_logits = xf @ router_w.T
    route_probs = jax.nn.softmax(route_logits, axis=-1)
    routes_k, indices_k = jax.lax.top_k(route_probs, TOP_K)
    routes_k_norm = routes_k / jnp.sum(routes_k, axis=-1, keepdims=True)
    expert_outputs = jnp.zeros_like(xf)
    # Faithful to the original loop: same dense w1/w3/w2 applied each iteration,
    # and scatter_add rows indexed by the EXPERT index (as in the torch code).
    for k in range(TOP_K):
        idx = indices_k[:, k]
        gate = routes_k_norm[:, k]
        h = jax.nn.silu(xf @ w1.T)
        h = h @ w3.T
        h = jax.nn.silu(h)
        h = h @ w2.T
        expert_outputs = expert_outputs.at[idx].add(gate[:, None] * h)
    return expert_outputs.reshape(b, s, d)

if __name__ == "__main__":
    import jax
    _d = setup_inputs()
    print(jax.jit(kernel)(*tuple(_d.values())))

</pallas_src>

<mosaic_0001>
#map = affine_map<(d0, d1) -> (0, 0)>
module attributes {stable_mosaic.version = 14 : i64} {
  func.func @_coef_sc_body(%arg0: i32, %arg1: i32, %arg2: memref<4096x16xf32, #tpu.memory_space<hbm>>, %arg3: memref<4096x16xf32, #tpu.memory_space<hbm>>, %arg4: memref<128x16xf32, #tpu.memory_space<vmem>>, %arg5: memref<128x16xf32, #tpu.memory_space<vmem>>) attributes {dimension_semantics = [#tpu.dimension_semantics<core_parallel>, #tpu.dimension_semantics<subcore_parallel>], iteration_bounds = array<i64: 2, 16>, scalar_prefetch = 0 : i64, scratch_operands = 2 : i64, tpu.core_type = #tpu.core_type<sc_vector_subcore>, window_params = [{transform_indices = #map}, {transform_indices = #map}]} {
    %mul3A = arith.constant 2 : i32
    %mul3A_0 = arith.muli %arg1, %mul3A : i32
    %add3A = arith.addi %mul3A_0, %arg0 : i32
    %mul3A_1 = arith.constant 128 : i32
    %mul3A_2 = arith.muli %add3A, %mul3A_1 : i32
    "tpu.region"() ({
      %run_scoped3A = tpu.sem_alloc : memref<!tpu.dma_semaphore, #tpu.memory_space<semaphore_mem>>
      %dma_start3A = arith.constant 0 : i32
      %dma_start3A_11 = tpu.memref_slice %arg2[%mul3A_2, %dma_start3A] : memref<4096x16xf32, #tpu.memory_space<hbm>> -> memref<128x16xf32, #tpu.memory_space<hbm>>
      %dma_start3A_12 = arith.constant 0 : i32
      %dma_start3A_13 = tpu.memref_slice %arg2[%mul3A_2, %dma_start3A_12] : memref<4096x16xf32, #tpu.memory_space<hbm>> -> memref<128x16xf32, #tpu.memory_space<hbm>>
      tpu.enqueue_dma source(%dma_start3A_13 : memref<128x16xf32, #tpu.memory_space<hbm>>) target(%arg4 : memref<128x16xf32, #tpu.memory_space<vmem>>) target_semaphore(%run_scoped3A : memref<!tpu.dma_semaphore, #tpu.memory_space<semaphore_mem>>)
      %dma_wait3A = arith.constant 0 : i32
      %dma_wait3A_14 = tpu.memref_slice %arg2[%mul3A_2, %dma_wait3A] : memref<4096x16xf32, #tpu.memory_space<hbm>> -> memref<128x16xf32, #tpu.memory_space<hbm>>
      %dma_wait3A_15 = arith.constant 0 : i32
      %dma_wait3A_16 = tpu.memref_slice %arg2[%mul3A_2, %dma_wait3A_15] : memref<4096x16xf32, #tpu.memory_space<hbm>> -> memref<128x16xf32, #tpu.memory_space<hbm>>
      tpu.wait_dma2 semaphore(%run_scoped3A : memref<!tpu.dma_semaphore, #tpu.memory_space<semaphore_mem>>) src(%dma_wait3A_16 : memref<128x16xf32, #tpu.memory_space<hbm>>) dst(%arg4 : memref<128x16xf32, #tpu.memory_space<vmem>>)
      tpu.yield
    }) : () -> ()
    %iota3A = tpu.iota {dimensions = array<i32: 0>} : vector<16xi32>
    %broadcast_in_dim3A = arith.constant 0xFF800000 : f32
    %broadcast_in_dim3A_3 = vector.broadcast %broadcast_in_dim3A : f32 to vector<16xf32>
    %broadcast_in_dim3A_4 = arith.constant 0.000000e+00 : f32
    %broadcast_in_dim3A_5 = vector.broadcast %broadcast_in_dim3A_4 : f32 to vector<16xf32>
    %scan3A = arith.constant 0 : i32
    %scan3A_6 = arith.constant 0 : i32
    %scan3A_7 = arith.constant 8 : i32
    %scan3A_8 = arith.addi %scan3A_6, %scan3A_7 : i32
    %scan3A_9 = arith.constant 1 : i32
    scf.for %scan3A_11 = %scan3A_6 to %scan3A_8 step %scan3A_9  : i32 {
      %mul3A_12 = arith.constant 16 : i32
      %mul3A_13 = arith.muli %scan3A_11, %mul3A_12 : i32
      %add3A_14 = vector.broadcast %mul3A_13 : i32 to vector<16xi32>
      %add3A_15 = arith.addi %add3A_14, %iota3A : vector<16xi32>
      %broadcast_in_dim3A_16 = arith.constant 0 : i32
      %broadcast_in_dim3A_17 = vector.broadcast %broadcast_in_dim3A_16 : i32 to vector<16xi32>
      %broadcast_in_dim3A_18 = arith.constant 0 : i32
      %broadcast_in_dim3A_19 = vector.broadcast %broadcast_in_dim3A_18 : i32 to vector<16xi32>
      %broadcast_in_dim3A_20 = arith.constant 0 : i32
      %broadcast_in_dim3A_21 = vector.broadcast %broadcast_in_dim3A_20 : i32 to vector<16xi32>
      %gather3A = tpu.vector_load_idx %arg4[%add3A_15, %broadcast_in_dim3A_21] : memref<128x16xf32, #tpu.memory_space<vmem>>[vector<16xi32>, vector<16xi32>], vector<16xf32>,
      %gt3A = arith.cmpf ogt, %gather3A, %broadcast_in_dim3A_3 : vector<16xf32>
      %gt3A_22 = arith.cmpf ogt, %gather3A, %broadcast_in_dim3A_3 : vector<16xf32>
      %not3A = arith.constant dense<true> : vector<16xi1>
      %not3A_23 = arith.xori %gt3A, %not3A : vector<16xi1>
      %and3A = arith.andi %gt3A_22, %not3A_23 : vector<16xi1>
      %select_n3A = arith.select %and3A, %gather3A, %broadcast_in_dim3A_3 : vector<16xi1>, vector<16xf32>
      %select_n3A_24 = arith.select %gt3A, %broadcast_in_dim3A_3, %select_n3A : vector<16xi1>, vector<16xf32>
      %jit3A = arith.constant 0 : i32
      %broadcast_in_dim3A_25 = vector.broadcast %jit3A : i32 to vector<16xi32>
      %select_n3A_26 = arith.select %and3A, %broadcast_in_dim3A_25, %broadcast_in_dim3A_19 : vector<16xi1>, vector<16xi32>
      %select_n3A_27 = arith.select %gt3A, %broadcast_in_dim3A_17, %select_n3A_26 : vector<16xi1>, vector<16xi32>
      %select_n3A_28 = arith.select %gt3A, %gather3A, %broadcast_in_dim3A_3 : vector<16xi1>, vector<16xf32>
      %jit3A_29 = arith.constant 0 : i32
      %broadcast_in_dim3A_30 = vector.broadcast %jit3A_29 : i32 to vector<16xi32>
      %select_n3A_31 = arith.select %gt3A, %broadcast_in_dim3A_30, %broadcast_in_dim3A_17 : vector<16xi1>, vector<16xi32>
      %broadcast_in_dim3A_32 = arith.constant 1 : i32
      %broadcast_in_dim3A_33 = vector.broadcast %broadcast_in_dim3A_32 : i32 to vector<16xi32>
      %gather3A_34 = tpu.vector_load_idx %arg4[%add3A_15, %broadcast_in_dim3A_33] : memref<128x16xf32, #tpu.memory_space<vmem>>[vector<16xi32>, vector<16xi32>], vector<16xf32>,
      %gt3A_35 = arith.cmpf ogt, %gather3A_34, %select_n3A_28 : vector<16xf32>
      %gt3A_36 = arith.cmpf ogt, %gather3A_34, %select_n3A_24 : vector<16xf32>
      %not3A_37 = arith.constant dense<true> : vector<16xi1>
      %not3A_38 = arith.xori %gt3A_35, %not3A_37 : vector<16xi1>
      %and3A_39 = arith.andi %gt3A_36, %not3A_38 : vector<16xi1>
      %select_n3A_40 = arith.select %and3A_39, %gather3A_34, %select_n3A_24 : vector<16xi1>, vector<16xf32>
      %select_n3A_41 = arith.select %gt3A_35, %select_n3A_28, %select_n3A_40 : vector<16xi1>, vector<16xf32>
      %jit3A_42 = arith.constant 1 : i32
      %broadcast_in_dim3A_43 = vector.broadcast %jit3A_42 : i32 to vector<16xi32>
      %select_n3A_44 = arith.select %and3A_39, %broadcast_in_dim3A_43, %select_n3A_27 : vector<16xi1>, vector<16xi32>
      %select_n3A_45 = arith.select %gt3A_35, %select_n3A_31, %select_n3A_44 : vector<16xi1>, vector<16xi32>
      %select_n3A_46 = arith.select %gt3A_35, %gather3A_34, %select_n3A_28 : vector<16xi1>, vector<16xf32>
      %jit3A_47 = arith.constant 1 : i32
      %broadcast_in_dim3A_48 = vector.broadcast %jit3A_47 : i32 to vector<16xi32>
      %select_n3A_49 = arith.select %gt3A_35, %broadcast_in_dim3A_48, %select_n3A_31 : vector<16xi1>, vector<16xi32>
      %broadcast_in_dim3A_50 = arith.constant 2 : i32
      %broadcast_in_dim3A_51 = vector.broadcast %broadcast_in_dim3A_50 : i32 to vector<16xi32>
      %gather3A_52 = tpu.vector_load_idx %arg4[%add3A_15, %broadcast_in_dim3A_51] : memref<128x16xf32, #tpu.memory_space<vmem>>[vector<16xi32>, vector<16xi32>], vector<16xf32>,
      %gt3A_53 = arith.cmpf ogt, %gather3A_52, %select_n3A_46 : vector<16xf32>
      %gt3A_54 = arith.cmpf ogt, %gather3A_52, %select_n3A_41 : vector<16xf32>
      %not3A_55 = arith.constant dense<true> : vector<16xi1>
      %not3A_56 = arith.xori %gt3A_53, %not3A_55 : vector<16xi1>
      %and3A_57 = arith.andi %gt3A_54, %not3A_56 : vector<16xi1>
      %select_n3A_58 = arith.select %and3A_57, %gather3A_52, %select_n3A_41 : vector<16xi1>, vector<16xf32>
      %select_n3A_59 = arith.select %gt3A_53, %select_n3A_46, %select_n3A_58 : vector<16xi1>, vector<16xf32>
      %jit3A_60 = arith.constant 2 : i32
      %broadcast_in_dim3A_61 = vector.broadcast %jit3A_60 : i32 to vector<16xi32>
      %select_n3A_62 = arith.select %and3A_57, %broadcast_in_dim3A_61, %select_n3A_45 : vector<16xi1>, vector<16xi32>
      %select_n3A_63 = arith.select %gt3A_53, %select_n3A_49, %select_n3A_62 : vector<16xi1>, vector<16xi32>
      %select_n3A_64 = arith.select %gt3A_53, %gather3A_52, %select_n3A_46 : vector<16xi1>, vector<16xf32>
      %jit3A_65 = arith.constant 2 : i32
      %broadcast_in_dim3A_66 = vector.broadcast %jit3A_65 : i32 to vector<16xi32>
      %select_n3A_67 = arith.select %gt3A_53, %broadcast_in_dim3A_66, %select_n3A_49 : vector<16xi1>, vector<16xi32>
      %broadcast_in_dim3A_68 = arith.constant 3 : i32
      %broadcast_in_dim3A_69 = vector.broadcast %broadcast_in_dim3A_68 : i32 to vector<16xi32>
      %gather3A_70 = tpu.vector_load_idx %arg4[%add3A_15, %broadcast_in_dim3A_69] : memref<128x16xf32, #tpu.memory_space<vmem>>[vector<16xi32>, vector<16xi32>], vector<16xf32>,
      %gt3A_71 = arith.cmpf ogt, %gather3A_70, %select_n3A_64 : vector<16xf32>
      %gt3A_72 = arith.cmpf ogt, %gather3A_70, %select_n3A_59 : vector<16xf32>
      %not3A_73 = arith.constant dense<true> : vector<16xi1>
      %not3A_74 = arith.xori %gt3A_71, %not3A_73 : vector<16xi1>
      %and3A_75 = arith.andi %gt3A_72, %not3A_74 : vector<16xi1>
      %select_n3A_76 = arith.select %and3A_75, %gather3A_70, %select_n3A_59 : vector<16xi1>, vector<16xf32>
      %select_n3A_77 = arith.select %gt3A_71, %select_n3A_64, %select_n3A_76 : vector<16xi1>, vector<16xf32>
      %jit3A_78 = arith.constant 3 : i32
      %broadcast_in_dim3A_79 = vector.broadcast %jit3A_78 : i32 to vector<16xi32>
      %select_n3A_80 = arith.select %and3A_75, %broadcast_in_dim3A_79, %select_n3A_63 : vector<16xi1>, vector<16xi32>
      %select_n3A_81 = arith.select %gt3A_71, %select_n3A_67, %select_n3A_80 : vector<16xi1>, vector<16xi32>
      %select_n3A_82 = arith.select %gt3A_71, %gather3A_70, %select_n3A_64 : vector<16xi1>, vector<16xf32>
      %jit3A_83 = arith.constant 3 : i32
      %broadcast_in_dim3A_84 = vector.broadcast %jit3A_83 : i32 to vector<16xi32>
      %select_n3A_85 = arith.select %gt3A_71, %broadcast_in_dim3A_84, %select_n3A_67 : vector<16xi1>, vector<16xi32>
      %broadcast_in_dim3A_86 = arith.constant 4 : i32
      %broadcast_in_dim3A_87 = vector.broadcast %broadcast_in_dim3A_86 : i32 to vector<16xi32>
      %gather3A_88 = tpu.vector_load_idx %arg4[%add3A_15, %broadcast_in_dim3A_87] : memref<128x16xf32, #tpu.memory_space<vmem>>[vector<16xi32>, vector<16xi32>], vector<16xf32>,
      %gt3A_89 = arith.cmpf ogt, %gather3A_88, %select_n3A_82 : vector<16xf32>
      %gt3A_90 = arith.cmpf ogt, %gather3A_88, %select_n3A_77 : vector<16xf32>
      %not3A_91 = arith.constant dense<true> : vector<16xi1>
      %not3A_92 = arith.xori %gt3A_89, %not3A_91 : vector<16xi1>
      %and3A_93 = arith.andi %gt3A_90, %not3A_92 : vector<16xi1>
      %select_n3A_94 = arith.select %and3A_93, %gather3A_88, %select_n3A_77 : vector<16xi1>, vector<16xf32>
      %select_n3A_95 = arith.select %gt3A_89, %select_n3A_82, %select_n3A_94 : vector<16xi1>, vector<16xf32>
      %jit3A_96 = arith.constant 4 : i32
      %broadcast_in_dim3A_97 = vector.broadcast %jit3A_96 : i32 to vector<16xi32>
      %select_n3A_98 = arith.select %and3A_93, %broadcast_in_dim3A_97, %select_n3A_81 : vector<16xi1>, vector<16xi32>
      %select_n3A_99 = arith.select %gt3A_89, %select_n3A_85, %select_n3A_98 : vector<16xi1>, vector<16xi32>
      %select_n3A_100 = arith.select %gt3A_89, %gather3A_88, %select_n3A_82 : vector<16xi1>, vector<16xf32>
      %jit3A_101 = arith.constant 4 : i32
      %broadcast_in_dim3A_102 = vector.broadcast %jit3A_101 : i32 to vector<16xi32>
      %select_n3A_103 = arith.select %gt3A_89, %broadcast_in_dim3A_102, %select_n3A_85 : vector<16xi1>, vector<16xi32>
      %broadcast_in_dim3A_104 = arith.constant 5 : i32
      %broadcast_in_dim3A_105 = vector.broadcast %broadcast_in_dim3A_104 : i32 to vector<16xi32>
      %gather3A_106 = tpu.vector_load_idx %arg4[%add3A_15, %broadcast_in_dim3A_105] : memref<128x16xf32, #tpu.memory_space<vmem>>[vector<16xi32>, vector<16xi32>], vector<16xf32>,
      %gt3A_107 = arith.cmpf ogt, %gather3A_106, %select_n3A_100 : vector<16xf32>
      %gt3A_108 = arith.cmpf ogt, %gather3A_106, %select_n3A_95 : vector<16xf32>
      %not3A_109 = arith.constant dense<true> : vector<16xi1>
      %not3A_110 = arith.xori %gt3A_107, %not3A_109 : vector<16xi1>
      %and3A_111 = arith.andi %gt3A_108, %not3A_110 : vector<16xi1>
      %select_n3A_112 = arith.select %and3A_111, %gather3A_106, %select_n3A_95 : vector<16xi1>, vector<16xf32>
      %select_n3A_113 = arith.select %gt3A_107, %select_n3A_100, %select_n3A_112 : vector<16xi1>, vector<16xf32>
      %jit3A_114 = arith.constant 5 : i32
      %broadcast_in_dim3A_115 = vector.broadcast %jit3A_114 : i32 to vector<16xi32>
      %select_n3A_116 = arith.select %and3A_111, %broadcast_in_dim3A_115, %select_n3A_99 : vector<16xi1>, vector<16xi32>
      %select_n3A_117 = arith.select %gt3A_107, %select_n3A_103, %select_n3A_116 : vector<16xi1>, vector<16xi32>
      %select_n3A_118 = arith.select %gt3A_107, %gather3A_106, %select_n3A_100 : vector<16xi1>, vector<16xf32>
      %jit3A_119 = arith.constant 5 : i32
      %broadcast_in_dim3A_120 = vector.broadcast %jit3A_119 : i32 to vector<16xi32>
      %select_n3A_121 = arith.select %gt3A_107, %broadcast_in_dim3A_120, %select_n3A_103 : vector<16xi1>, vector<16xi32>
      %broadcast_in_dim3A_122 = arith.constant 6 : i32
      %broadcast_in_dim3A_123 = vector.broadcast %broadcast_in_dim3A_122 : i32 to vector<16xi32>
      %gather3A_124 = tpu.vector_load_idx %arg4[%add3A_15, %broadcast_in_dim3A_123] : memref<128x16xf32, #tpu.memory_space<vmem>>[vector<16xi32>, vector<16xi32>], vector<16xf32>,
      %gt3A_125 = arith.cmpf ogt, %gather3A_124, %select_n3A_118 : vector<16xf32>
      %gt3A_126 = arith.cmpf ogt, %gather3A_124, %select_n3A_113 : vector<16xf32>
      %not3A_127 = arith.constant dense<true> : vector<16xi1>
      %not3A_128 = arith.xori %gt3A_125, %not3A_127 : vector<16xi1>
      %and3A_129 = arith.andi %gt3A_126, %not3A_128 : vector<16xi1>
      %select_n3A_130 = arith.select %and3A_129, %gather3A_124, %select_n3A_113 : vector<16xi1>, vector<16xf32>
      %select_n3A_131 = arith.select %gt3A_125, %select_n3A_118, %select_n3A_130 : vector<16xi1>, vector<16xf32>
      %jit3A_132 = arith.constant 6 : i32
      %broadcast_in_dim3A_133 = vector.broadcast %jit3A_132 : i32 to vector<16xi32>
      %select_n3A_134 = arith.select %and3A_129, %broadcast_in_dim3A_133, %select_n3A_117 : vector<16xi1>, vector<16xi32>
      %select_n3A_135 = arith.select %gt3A_125, %select_n3A_121, %select_n3A_134 : vector<16xi1>, vector<16xi32>
      %select_n3A_136 = arith.select %gt3A_125, %gather3A_124, %select_n3A_118 : vector<16xi1>, vector<16xf32>
      %jit3A_137 = arith.constant 6 : i32
      %broadcast_in_dim3A_138 = vector.broadcast %jit3A_137 : i32 to vector<16xi32>
      %select_n3A_139 = arith.select %gt3A_125, %broadcast_in_dim3A_138, %select_n3A_121 : vector<16xi1>, vector<16xi32>
      %broadcast_in_dim3A_140 = arith.constant 7 : i32
      %broadcast_in_dim3A_141 = vector.broadcast %broadcast_in_dim3A_140 : i32 to vector<16xi32>
      %gather3A_142 = tpu.vector_load_idx %arg4[%add3A_15, %broadcast_in_dim3A_141] : memref<128x16xf32, #tpu.memory_space<vmem>>[vector<16xi32>, vector<16xi32>], vector<16xf32>,
      %gt3A_143 = arith.cmpf ogt, %gather3A_142, %select_n3A_136 : vector<16xf32>
      %gt3A_144 = arith.cmpf ogt, %gather3A_142, %select_n3A_131 : vector<16xf32>
      %not3A_145 = arith.constant dense<true> : vector<16xi1>
      %not3A_146 = arith.xori %gt3A_143, %not3A_145 : vector<16xi1>
      %and3A_147 = arith.andi %gt3A_144, %not3A_146 : vector<16xi1>
      %select_n3A_148 = arith.select %and3A_147, %gather3A_142, %select_n3A_131 : vector<16xi1>, vector<16xf32>
      %select_n3A_149 = arith.select %gt3A_143, %select_n3A_136, %select_n3A_148 : vector<16xi1>, vector<16xf32>
      %jit3A_150 = arith.constant 7 : i32
      %broadcast_in_dim3A_151 = vector.broadcast %jit3A_150 : i32 to vector<16xi32>
      %select_n3A_152 = arith.select %and3A_147, %broadcast_in_dim3A_151, %select_n3A_135 : vector<16xi1>, vector<16xi32>
      %select_n3A_153 = arith.select %gt3A_143, %select_n3A_139, %select_n3A_152 : vector<16xi1>, vector<16xi32>
      %select_n3A_154 = arith.select %gt3A_143, %gather3A_142, %select_n3A_136 : vector<16xi1>, vector<16xf32>
      %jit3A_155 = arith.constant 7 : i32
      %broadcast_in_dim3A_156 = vector.broadcast %jit3A_155 : i32 to vector<16xi32>
      %select_n3A_157 = arith.select %gt3A_143, %broadcast_in_dim3A_156, %select_n3A_139 : vector<16xi1>, vector<16xi32>
      %broadcast_in_dim3A_158 = arith.constant 8 : i32
      %broadcast_in_dim3A_159 = vector.broadcast %broadcast_in_dim3A_158 : i32 to vector<16xi32>
      %gather3A_160 = tpu.vector_load_idx %arg4[%add3A_15, %broadcast_in_dim3A_159] : memref<128x16xf32, #tpu.memory_space<vmem>>[vector<16xi32>, vector<16xi32>], vector<16xf32>,
      %gt3A_161 = arith.cmpf ogt, %gather3A_160, %select_n3A_154 : vector<16xf32>
      %gt3A_162 = arith.cmpf ogt, %gather3A_160, %select_n3A_149 : vector<16xf32>
      %not3A_163 = arith.constant dense<true> : vector<16xi1>
      %not3A_164 = arith.xori %gt3A_161, %not3A_163 : vector<16xi1>
      %and3A_165 = arith.andi %gt3A_162, %not3A_164 : vector<16xi1>
      %select_n3A_166 = arith.select %and3A_165, %gather3A_160, %select_n3A_149 : vector<16xi1>, vector<16xf32>
      %select_n3A_167 = arith.select %gt3A_161, %select_n3A_154, %select_n3A_166 : vector<16xi1>, vector<16xf32>
      %jit3A_168 = arith.constant 8 : i32
      %broadcast_in_dim3A_169 = vector.broadcast %jit3A_168 : i32 to vector<16xi32>
      %select_n3A_170 = arith.select %and3A_165, %broadcast_in_dim3A_169, %select_n3A_153 : vector<16xi1>, vector<16xi32>
      %select_n3A_171 = arith.select %gt3A_161, %select_n3A_157, %select_n3A_170 : vector<16xi1>, vector<16xi32>
      %select_n3A_172 = arith.select %gt3A_161, %gather3A_160, %select_n3A_154 : vector<16xi1>, vector<16xf32>
      %jit3A_173 = arith.constant 8 : i32
      %broadcast_in_dim3A_174 = vector.broadcast %jit3A_173 : i32 to vector<16xi32>
      %select_n3A_175 = arith.select %gt3A_161, %broadcast_in_dim3A_174, %select_n3A_157 : vector<16xi1>, vector<16xi32>
      %broadcast_in_dim3A_176 = arith.constant 9 : i32
      %broadcast_in_dim3A_177 = vector.broadcast %broadcast_in_dim3A_176 : i32 to vector<16xi32>
      %gather3A_178 = tpu.vector_load_idx %arg4[%add3A_15, %broadcast_in_dim3A_177] : memref<128x16xf32, #tpu.memory_space<vmem>>[vector<16xi32>, vector<16xi32>], vector<16xf32>,
      %gt3A_179 = arith.cmpf ogt, %gather3A_178, %select_n3A_172 : vector<16xf32>
      %gt3A_180 = arith.cmpf ogt, %gather3A_178, %select_n3A_167 : vector<16xf32>
      %not3A_181 = arith.constant dense<true> : vector<16xi1>
      %not3A_182 = arith.xori %gt3A_179, %not3A_181 : vector<16xi1>
      %and3A_183 = arith.andi %gt3A_180, %not3A_182 : vector<16xi1>
      %select_n3A_184 = arith.select %and3A_183, %gather3A_178, %select_n3A_167 : vector<16xi1>, vector<16xf32>
      %select_n3A_185 = arith.select %gt3A_179, %select_n3A_172, %select_n3A_184 : vector<16xi1>, vector<16xf32>
      %jit3A_186 = arith.constant 9 : i32
      %broadcast_in_dim3A_187 = vector.broadcast %jit3A_186 : i32 to vector<16xi32>
      %select_n3A_188 = arith.select %and3A_183, %broadcast_in_dim3A_187, %select_n3A_171 : vector<16xi1>, vector<16xi32>
      %select_n3A_189 = arith.select %gt3A_179, %select_n3A_175, %select_n3A_188 : vector<16xi1>, vector<16xi32>
      %select_n3A_190 = arith.select %gt3A_179, %gather3A_178, %select_n3A_172 : vector<16xi1>, vector<16xf32>
      %jit3A_191 = arith.constant 9 : i32
      %broadcast_in_dim3A_192 = vector.broadcast %jit3A_191 : i32 to vector<16xi32>
      %select_n3A_193 = arith.select %gt3A_179, %broadcast_in_dim3A_192, %select_n3A_175 : vector<16xi1>, vector<16xi32>
      %broadcast_in_dim3A_194 = arith.constant 10 : i32
      %broadcast_in_dim3A_195 = vector.broadcast %broadcast_in_dim3A_194 : i32 to vector<16xi32>
      %gather3A_196 = tpu.vector_load_idx %arg4[%add3A_15, %broadcast_in_dim3A_195] : memref<128x16xf32, #tpu.memory_space<vmem>>[vector<16xi32>, vector<16xi32>], vector<16xf32>,
      %gt3A_197 = arith.cmpf ogt, %gather3A_196, %select_n3A_190 : vector<16xf32>
      %gt3A_198 = arith.cmpf ogt, %gather3A_196, %select_n3A_185 : vector<16xf32>
      %not3A_199 = arith.constant dense<true> : vector<16xi1>
      %not3A_200 = arith.xori %gt3A_197, %not3A_199 : vector<16xi1>
      %and3A_201 = arith.andi %gt3A_198, %not3A_200 : vector<16xi1>
      %select_n3A_202 = arith.select %and3A_201, %gather3A_196, %select_n3A_185 : vector<16xi1>, vector<16xf32>
      %select_n3A_203 = arith.select %gt3A_197, %select_n3A_190, %select_n3A_202 : vector<16xi1>, vector<16xf32>
      %jit3A_204 = arith.constant 10 : i32
      %broadcast_in_dim3A_205 = vector.broadcast %jit3A_204 : i32 to vector<16xi32>
      %select_n3A_206 = arith.select %and3A_201, %broadcast_in_dim3A_205, %select_n3A_189 : vector<16xi1>, vector<16xi32>
      %select_n3A_207 = arith.select %gt3A_197, %select_n3A_193, %select_n3A_206 : vector<16xi1>, vector<16xi32>
      %select_n3A_208 = arith.select %gt3A_197, %gather3A_196, %select_n3A_190 : vector<16xi1>, vector<16xf32>
      %jit3A_209 = arith.constant 10 : i32
      %broadcast_in_dim3A_210 = vector.broadcast %jit3A_209 : i32 to vector<16xi32>
      %select_n3A_211 = arith.select %gt3A_197, %broadcast_in_dim3A_210, %select_n3A_193 : vector<16xi1>, vector<16xi32>
      %broadcast_in_dim3A_212 = arith.constant 11 : i32
      %broadcast_in_dim3A_213 = vector.broadcast %broadcast_in_dim3A_212 : i32 to vector<16xi32>
      %gather3A_214 = tpu.vector_load_idx %arg4[%add3A_15, %broadcast_in_dim3A_213] : memref<128x16xf32, #tpu.memory_space<vmem>>[vector<16xi32>, vector<16xi32>], vector<16xf32>,
      %gt3A_215 = arith.cmpf ogt, %gather3A_214, %select_n3A_208 : vector<16xf32>
      %gt3A_216 = arith.cmpf ogt, %gather3A_214, %select_n3A_203 : vector<16xf32>
      %not3A_217 = arith.constant dense<true> : vector<16xi1>
      %not3A_218 = arith.xori %gt3A_215, %not3A_217 : vector<16xi1>
      %and3A_219 = arith.andi %gt3A_216, %not3A_218 : vector<16xi1>
      %select_n3A_220 = arith.select %and3A_219, %gather3A_214, %select_n3A_203 : vector<16xi1>, vector<16xf32>
      %select_n3A_221 = arith.select %gt3A_215, %select_n3A_208, %select_n3A_220 : vector<16xi1>, vector<16xf32>
      %jit3A_222 = arith.constant 11 : i32
      %broadcast_in_dim3A_223 = vector.broadcast %jit3A_222 : i32 to vector<16xi32>
      %select_n3A_224 = arith.select %and3A_219, %broadcast_in_dim3A_223, %select_n3A_207 : vector<16xi1>, vector<16xi32>
      %select_n3A_225 = arith.select %gt3A_215, %select_n3A_211, %select_n3A_224 : vector<16xi1>, vector<16xi32>
      %select_n3A_226 = arith.select %gt3A_215, %gather3A_214, %select_n3A_208 : vector<16xi1>, vector<16xf32>
      %jit3A_227 = arith.constant 11 : i32
      %broadcast_in_dim3A_228 = vector.broadcast %jit3A_227 : i32 to vector<16xi32>
      %select_n3A_229 = arith.select %gt3A_215, %broadcast_in_dim3A_228, %select_n3A_211 : vector<16xi1>, vector<16xi32>
      %broadcast_in_dim3A_230 = arith.constant 12 : i32
      %broadcast_in_dim3A_231 = vector.broadcast %broadcast_in_dim3A_230 : i32 to vector<16xi32>
      %gather3A_232 = tpu.vector_load_idx %arg4[%add3A_15, %broadcast_in_dim3A_231] : memref<128x16xf32, #tpu.memory_space<vmem>>[vector<16xi32>, vector<16xi32>], vector<16xf32>,
      %gt3A_233 = arith.cmpf ogt, %gather3A_232, %select_n3A_226 : vector<16xf32>
      %gt3A_234 = arith.cmpf ogt, %gather3A_232, %select_n3A_221 : vector<16xf32>
      %not3A_235 = arith.constant dense<true> : vector<16xi1>
      %not3A_236 = arith.xori %gt3A_233, %not3A_235 : vector<16xi1>
      %and3A_237 = arith.andi %gt3A_234, %not3A_236 : vector<16xi1>
      %select_n3A_238 = arith.select %and3A_237, %gather3A_232, %select_n3A_221 : vector<16xi1>, vector<16xf32>
      %select_n3A_239 = arith.select %gt3A_233, %select_n3A_226, %select_n3A_238 : vector<16xi1>, vector<16xf32>
      %jit3A_240 = arith.constant 12 : i32
      %broadcast_in_dim3A_241 = vector.broadcast %jit3A_240 : i32 to vector<16xi32>
      %select_n3A_242 = arith.select %and3A_237, %broadcast_in_dim3A_241, %select_n3A_225 : vector<16xi1>, vector<16xi32>
      %select_n3A_243 = arith.select %gt3A_233, %select_n3A_229, %select_n3A_242 : vector<16xi1>, vector<16xi32>
      %select_n3A_244 = arith.select %gt3A_233, %gather3A_232, %select_n3A_226 : vector<16xi1>, vector<16xf32>
      %jit3A_245 = arith.constant 12 : i32
      %broadcast_in_dim3A_246 = vector.broadcast %jit3A_245 : i32 to vector<16xi32>
      %select_n3A_247 = arith.select %gt3A_233, %broadcast_in_dim3A_246, %select_n3A_229 : vector<16xi1>, vector<16xi32>
      %broadcast_in_dim3A_248 = arith.constant 13 : i32
      %broadcast_in_dim3A_249 = vector.broadcast %broadcast_in_dim3A_248 : i32 to vector<16xi32>
      %gather3A_250 = tpu.vector_load_idx %arg4[%add3A_15, %broadcast_in_dim3A_249] : memref<128x16xf32, #tpu.memory_space<vmem>>[vector<16xi32>, vector<16xi32>], vector<16xf32>,
      %gt3A_251 = arith.cmpf ogt, %gather3A_250, %select_n3A_244 : vector<16xf32>
      %gt3A_252 = arith.cmpf ogt, %gather3A_250, %select_n3A_239 : vector<16xf32>
      %not3A_253 = arith.constant dense<true> : vector<16xi1>
      %not3A_254 = arith.xori %gt3A_251, %not3A_253 : vector<16xi1>
      %and3A_255 = arith.andi %gt3A_252, %not3A_254 : vector<16xi1>
      %select_n3A_256 = arith.select %and3A_255, %gather3A_250, %select_n3A_239 : vector<16xi1>, vector<16xf32>
      %select_n3A_257 = arith.select %gt3A_251, %select_n3A_244, %select_n3A_256 : vector<16xi1>, vector<16xf32>
      %jit3A_258 = arith.constant 13 : i32
      %broadcast_in_dim3A_259 = vector.broadcast %jit3A_258 : i32 to vector<16xi32>
      %select_n3A_260 = arith.select %and3A_255, %broadcast_in_dim3A_259, %select_n3A_243 : vector<16xi1>, vector<16xi32>
      %select_n3A_261 = arith.select %gt3A_251, %select_n3A_247, %select_n3A_260 : vector<16xi1>, vector<16xi32>
      %select_n3A_262 = arith.select %gt3A_251, %gather3A_250, %select_n3A_244 : vector<16xi1>, vector<16xf32>
      %jit3A_263 = arith.constant 13 : i32
      %broadcast_in_dim3A_264 = vector.broadcast %jit3A_263 : i32 to vector<16xi32>
      %select_n3A_265 = arith.select %gt3A_251, %broadcast_in_dim3A_264, %select_n3A_247 : vector<16xi1>, vector<16xi32>
      %broadcast_in_dim3A_266 = arith.constant 14 : i32
      %broadcast_in_dim3A_267 = vector.broadcast %broadcast_in_dim3A_266 : i32 to vector<16xi32>
      %gather3A_268 = tpu.vector_load_idx %arg4[%add3A_15, %broadcast_in_dim3A_267] : memref<128x16xf32, #tpu.memory_space<vmem>>[vector<16xi32>, vector<16xi32>], vector<16xf32>,
      %gt3A_269 = arith.cmpf ogt, %gather3A_268, %select_n3A_262 : vector<16xf32>
      %gt3A_270 = arith.cmpf ogt, %gather3A_268, %select_n3A_257 : vector<16xf32>
      %not3A_271 = arith.constant dense<true> : vector<16xi1>
      %not3A_272 = arith.xori %gt3A_269, %not3A_271 : vector<16xi1>
      %and3A_273 = arith.andi %gt3A_270, %not3A_272 : vector<16xi1>
      %select_n3A_274 = arith.select %and3A_273, %gather3A_268, %select_n3A_257 : vector<16xi1>, vector<16xf32>
      %select_n3A_275 = arith.select %gt3A_269, %select_n3A_262, %select_n3A_274 : vector<16xi1>, vector<16xf32>
      %jit3A_276 = arith.constant 14 : i32
      %broadcast_in_dim3A_277 = vector.broadcast %jit3A_276 : i32 to vector<16xi32>
      %select_n3A_278 = arith.select %and3A_273, %broadcast_in_dim3A_277, %select_n3A_261 : vector<16xi1>, vector<16xi32>
      %select_n3A_279 = arith.select %gt3A_269, %select_n3A_265, %select_n3A_278 : vector<16xi1>, vector<16xi32>
      %select_n3A_280 = arith.select %gt3A_269, %gather3A_268, %select_n3A_262 : vector<16xi1>, vector<16xf32>
      %jit3A_281 = arith.constant 14 : i32
      %broadcast_in_dim3A_282 = vector.broadcast %jit3A_281 : i32 to vector<16xi32>
      %select_n3A_283 = arith.select %gt3A_269, %broadcast_in_dim3A_282, %select_n3A_265 : vector<16xi1>, vector<16xi32>
      %broadcast_in_dim3A_284 = arith.constant 15 : i32
      %broadcast_in_dim3A_285 = vector.broadcast %broadcast_in_dim3A_284 : i32 to vector<16xi32>
      %gather3A_286 = tpu.vector_load_idx %arg4[%add3A_15, %broadcast_in_dim3A_285] : memref<128x16xf32, #tpu.memory_space<vmem>>[vector<16xi32>, vector<16xi32>], vector<16xf32>,
      %gt3A_287 = arith.cmpf ogt, %gather3A_286, %select_n3A_280 : vector<16xf32>
      %gt3A_288 = arith.cmpf ogt, %gather3A_286, %select_n3A_275 : vector<16xf32>
      %not3A_289 = arith.constant dense<true> : vector<16xi1>
      %not3A_290 = arith.xori %gt3A_287, %not3A_289 : vector<16xi1>
      %and3A_291 = arith.andi %gt3A_288, %not3A_290 : vector<16xi1>
      %select_n3A_292 = arith.select %and3A_291, %gather3A_286, %select_n3A_275 : vector<16xi1>, vector<16xf32>
      %select_n3A_293 = arith.select %gt3A_287, %select_n3A_280, %select_n3A_292 : vector<16xi1>, vector<16xf32>
      %jit3A_294 = arith.constant 15 : i32
      %broadcast_in_dim3A_295 = vector.broadcast %jit3A_294 : i32 to vector<16xi32>
      %select_n3A_296 = arith.select %and3A_291, %broadcast_in_dim3A_295, %select_n3A_279 : vector<16xi1>, vector<16xi32>
      %select_n3A_297 = arith.select %gt3A_287, %select_n3A_283, %select_n3A_296 : vector<16xi1>, vector<16xi32>
      %select_n3A_298 = arith.select %gt3A_287, %gather3A_286, %select_n3A_280 : vector<16xi1>, vector<16xf32>
      %jit3A_299 = arith.constant 15 : i32
      %broadcast_in_dim3A_300 = vector.broadcast %jit3A_299 : i32 to vector<16xi32>
      %select_n3A_301 = arith.select %gt3A_287, %broadcast_in_dim3A_300, %select_n3A_283 : vector<16xi1>, vector<16xi32>
      %sub3A = arith.subf %select_n3A_293, %select_n3A_298 : vector<16xf32>
      %exp3A = math.exp %sub3A : vector<16xf32>
      %add3A_302 = arith.constant 1.000000e+00 : f32
      %add3A_303 = vector.broadcast %add3A_302 : f32 to vector<16xf32>
      %add3A_304 = arith.addf %add3A_303, %exp3A : vector<16xf32>
      %div3A = arith.constant 1.000000e+00 : f32
      %div3A_305 = vector.broadcast %div3A : f32 to vector<16xf32>
      %div3A_306 = arith.divf %div3A_305, %add3A_304 : vector<16xf32>
      %mul3A_307 = arith.constant 16 : i32
      %mul3A_308 = arith.muli %scan3A_11, %mul3A_307 : i32
      %add3A_309 = arith.constant 0 : i32
      %add3A_310 = arith.addi %mul3A_308, %add3A_309 : i32
      %swap3A = arith.index_cast %add3A_310 : i32 to index
      %swap3A_311 = arith.constant 0 : index
      %swap3A_312 = tpu.vector_load %arg5[%swap3A, %swap3A_311] {strides = array<i32>} : memref<128x16xf32, #tpu.memory_space<vmem>>, vector<16xf32>,
      tpu.vector_store %arg5[%swap3A, %swap3A_311], %broadcast_in_dim3A_5 {strides = array<i32>} : memref<128x16xf32, #tpu.memory_space<vmem>>, vector<16xf32>,
      %mul3A_313 = arith.constant 16 : i32
      %mul3A_314 = arith.muli %scan3A_11, %mul3A_313 : i32
      %add3A_315 = arith.constant 1 : i32
      %add3A_316 = arith.addi %mul3A_314, %add3A_315 : i32
      %swap3A_317 = arith.index_cast %add3A_316 : i32 to index
      %swap3A_318 = arith.constant 0 : index
      %swap3A_319 = tpu.vector_load %arg5[%swap3A_317, %swap3A_318] {strides = array<i32>} : memref<128x16xf32, #tpu.memory_space<vmem>>, vector<16xf32>,
      tpu.vector_store %arg5[%swap3A_317, %swap3A_318], %broadcast_in_dim3A_5 {strides = array<i32>} : memref<128x16xf32, #tpu.memory_space<vmem>>, vector<16xf32>,
      %mul3A_320 = arith.constant 16 : i32
      %mul3A_321 = arith.muli %scan3A_11, %mul3A_320 : i32
      %add3A_322 = arith.constant 2 : i32
      %add3A_323 = arith.addi %mul3A_321, %add3A_322 : i32
      %swap3A_324 = arith.index_cast %add3A_323 : i32 to index
      %swap3A_325 = arith.constant 0 : index
      %swap3A_326 = tpu.vector_load %arg5[%swap3A_324, %swap3A_325] {strides = array<i32>} : memref<128x16xf32, #tpu.memory_space<vmem>>, vector<16xf32>,
      tpu.vector_store %arg5[%swap3A_324, %swap3A_325], %broadcast_in_dim3A_5 {strides = array<i32>} : memref<128x16xf32, #tpu.memory_space<vmem>>, vector<16xf32>,
      %mul3A_327 = arith.constant 16 : i32
      %mul3A_328 = arith.muli %scan3A_11, %mul3A_327 : i32
      %add3A_329 = arith.constant 3 : i32
      %add3A_330 = arith.addi %mul3A_328, %add3A_329 : i32
      %swap3A_331 = arith.index_cast %add3A_330 : i32 to index
      %swap3A_332 = arith.constant 0 : index
      %swap3A_333 = tpu.vector_load %arg5[%swap3A_331, %swap3A_332] {strides = array<i32>} : memref<128x16xf32, #tpu.memory_space<vmem>>, vector<16xf32>,
      tpu.vector_store %arg5[%swap3A_331, %swap3A_332], %broadcast_in_dim3A_5 {strides = array<i32>} : memref<128x16xf32, #tpu.memory_space<vmem>>, vector<16xf32>,
      %mul3A_334 = arith.constant 16 : i32
      %mul3A_335 = arith.muli %scan3A_11, %mul3A_334 : i32
      %add3A_336 = arith.constant 4 : i32
      %add3A_337 = arith.addi %mul3A_335, %add3A_336 : i32
      %swap3A_338 = arith.index_cast %add3A_337 : i32 to index
      %swap3A_339 = arith.constant 0 : index
      %swap3A_340 = tpu.vector_load %arg5[%swap3A_338, %swap3A_339] {strides = array<i32>} : memref<128x16xf32, #tpu.memory_space<vmem>>, vector<16xf32>,
      tpu.vector_store %arg5[%swap3A_338, %swap3A_339], %broadcast_in_dim3A_5 {strides = array<i32>} : memref<128x16xf32, #tpu.memory_space<vmem>>, vector<16xf32>,
      %mul3A_341 = arith.constant 16 : i32
      %mul3A_342 = arith.muli %scan3A_11, %mul3A_341 : i32
      %add3A_343 = arith.constant 5 : i32
      %add3A_344 = arith.addi %mul3A_342, %add3A_343 : i32
      %swap3A_345 = arith.index_cast %add3A_344 : i32 to index
      %swap3A_346 = arith.constant 0 : index
      %swap3A_347 = tpu.vector_load %arg5[%swap3A_345, %swap3A_346] {strides = array<i32>} : memref<128x16xf32, #tpu.memory_space<vmem>>, vector<16xf32>,
      tpu.vector_store %arg5[%swap3A_345, %swap3A_346], %broadcast_in_dim3A_5 {strides = array<i32>} : memref<128x16xf32, #tpu.memory_space<vmem>>, vector<16xf32>,
      %mul3A_348 = arith.constant 16 : i32
      %mul3A_349 = arith.muli %scan3A_11, %mul3A_348 : i32
      %add3A_350 = arith.constant 6 : i32
      %add3A_351 = arith.addi %mul3A_349, %add3A_350 : i32
      %swap3A_352 = arith.index_cast %add3A_351 : i32 to index
      %swap3A_353 = arith.constant 0 : index
      %swap3A_354 = tpu.vector_load %arg5[%swap3A_352, %swap3A_353] {strides = array<i32>} : memref<128x16xf32, #tpu.memory_space<vmem>>, vector<16xf32>,
      tpu.vector_store %arg5[%swap3A_352, %swap3A_353], %broadcast_in_dim3A_5 {strides = array<i32>} : memref<128x16xf32, #tpu.memory_space<vmem>>, vector<16xf32>,
      %mul3A_355 = arith.constant 16 : i32
      %mul3A_356 = arith.muli %scan3A_11, %mul3A_355 : i32
      %add3A_357 = arith.constant 7 : i32
      %add3A_358 = arith.addi %mul3A_356, %add3A_357 : i32
      %swap3A_359 = arith.index_cast %add3A_358 : i32 to index
      %swap3A_360 = arith.constant 0 : index
      %swap3A_361 = tpu.vector_load %arg5[%swap3A_359, %swap3A_360] {strides = array<i32>} : memref<128x16xf32, #tpu.memory_space<vmem>>, vector<16xf32>,
      tpu.vector_store %arg5[%swap3A_359, %swap3A_360], %broadcast_in_dim3A_5 {strides = array<i32>} : memref<128x16xf32, #tpu.memory_space<vmem>>, vector<16xf32>,
      %mul3A_362 = arith.constant 16 : i32
      %mul3A_363 = arith.muli %scan3A_11, %mul3A_362 : i32
      %add3A_364 = arith.constant 8 : i32
      %add3A_365 = arith.addi %mul3A_363, %add3A_364 : i32
      %swap3A_366 = arith.index_cast %add3A_365 : i32 to index
      %swap3A_367 = arith.constant 0 : index
      %swap3A_368 = tpu.vector_load %arg5[%swap3A_366, %swap3A_367] {strides = array<i32>} : memref<128x16xf32, #tpu.memory_space<vmem>>, vector<16xf32>,
      tpu.vector_store %arg5[%swap3A_366, %swap3A_367], %broadcast_in_dim3A_5 {strides = array<i32>} : memref<128x16xf32, #tpu.memory_space<vmem>>, vector<16xf32>,
      %mul3A_369 = arith.constant 16 : i32
      %mul3A_370 = arith.muli %scan3A_11, %mul3A_369 : i32
      %add3A_371 = arith.constant 9 : i32
      %add3A_372 = arith.addi %mul3A_370, %add3A_371 : i32
      %swap3A_373 = arith.index_cast %add3A_372 : i32 to index
      %swap3A_374 = arith.constant 0 : index
      %swap3A_375 = tpu.vector_load %arg5[%swap3A_373, %swap3A_374] {strides = array<i32>} : memref<128x16xf32, #tpu.memory_space<vmem>>, vector<16xf32>,
      tpu.vector_store %arg5[%swap3A_373, %swap3A_374], %broadcast_in_dim3A_5 {strides = array<i32>} : memref<128x16xf32, #tpu.memory_space<vmem>>, vector<16xf32>,
      %mul3A_376 = arith.constant 16 : i32
      %mul3A_377 = arith.muli %scan3A_11, %mul3A_376 : i32
      %add3A_378 = arith.constant 10 : i32
      %add3A_379 = arith.addi %mul3A_377, %add3A_378 : i32
      %swap3A_380 = arith.index_cast %add3A_379 : i32 to index
      %swap3A_381 = arith.constant 0 : index
      %swap3A_382 = tpu.vector_load %arg5[%swap3A_380, %swap3A_381] {strides = array<i32>} : memref<128x16xf32, #tpu.memory_space<vmem>>, vector<16xf32>,
      tpu.vector_store %arg5[%swap3A_380, %swap3A_381], %broadcast_in_dim3A_5 {strides = array<i32>} : memref<128x16xf32, #tpu.memory_space<vmem>>, vector<16xf32>,
      %mul3A_383 = arith.constant 16 : i32
      %mul3A_384 = arith.muli %scan3A_11, %mul3A_383 : i32
      %add3A_385 = arith.constant 11 : i32
      %add3A_386 = arith.addi %mul3A_384, %add3A_385 : i32
      %swap3A_387 = arith.index_cast %add3A_386 : i32 to index
      %swap3A_388 = arith.constant 0 : index
      %swap3A_389 = tpu.vector_load %arg5[%swap3A_387, %swap3A_388] {strides = array<i32>} : memref<128x16xf32, #tpu.memory_space<vmem>>, vector<16xf32>,
      tpu.vector_store %arg5[%swap3A_387, %swap3A_388], %broadcast_in_dim3A_5 {strides = array<i32>} : memref<128x16xf32, #tpu.memory_space<vmem>>, vector<16xf32>,
      %mul3A_390 = arith.constant 16 : i32
      %mul3A_391 = arith.muli %scan3A_11, %mul3A_390 : i32
      %add3A_392 = arith.constant 12 : i32
      %add3A_393 = arith.addi %mul3A_391, %add3A_392 : i32
      %swap3A_394 = arith.index_cast %add3A_393 : i32 to index
      %swap3A_395 = arith.constant 0 : index
      %swap3A_396 = tpu.vector_load %arg5[%swap3A_394, %swap3A_395] {strides = array<i32>} : memref<128x16xf32, #tpu.memory_space<vmem>>, vector<16xf32>,
      tpu.vector_store %arg5[%swap3A_394, %swap3A_395], %broadcast_in_dim3A_5 {strides = array<i32>} : memref<128x16xf32, #tpu.memory_space<vmem>>, vector<16xf32>,
      %mul3A_397 = arith.constant 16 : i32
      %mul3A_398 = arith.muli %scan3A_11, %mul3A_397 : i32
      %add3A_399 = arith.constant 13 : i32
      %add3A_400 = arith.addi %mul3A_398, %add3A_399 : i32
      %swap3A_401 = arith.index_cast %add3A_400 : i32 to index
      %swap3A_402 = arith.constant 0 : index
      %swap3A_403 = tpu.vector_load %arg5[%swap3A_401, %swap3A_402] {strides = array<i32>} : memref<128x16xf32, #tpu.memory_space<vmem>>, vector<16xf32>,
      tpu.vector_store %arg5[%swap3A_401, %swap3A_402], %broadcast_in_dim3A_5 {strides = array<i32>} : memref<128x16xf32, #tpu.memory_space<vmem>>, vector<16xf32>,
      %mul3A_404 = arith.constant 16 : i32
      %mul3A_405 = arith.muli %scan3A_11, %mul3A_404 : i32
      %add3A_406 = arith.constant 14 : i32
      %add3A_407 = arith.addi %mul3A_405, %add3A_406 : i32
      %swap3A_408 = arith.index_cast %add3A_407 : i32 to index
      %swap3A_409 = arith.constant 0 : index
      %swap3A_410 = tpu.vector_load %arg5[%swap3A_408, %swap3A_409] {strides = array<i32>} : memref<128x16xf32, #tpu.memory_space<vmem>>, vector<16xf32>,
      tpu.vector_store %arg5[%swap3A_408, %swap3A_409], %broadcast_in_dim3A_5 {strides = array<i32>} : memref<128x16xf32, #tpu.memory_space<vmem>>, vector<16xf32>,
      %mul3A_411 = arith.constant 16 : i32
      %mul3A_412 = arith.muli %scan3A_11, %mul3A_411 : i32
      %add3A_413 = arith.constant 15 : i32
      %add3A_414 = arith.addi %mul3A_412, %add3A_413 : i32
      %swap3A_415 = arith.index_cast %add3A_414 : i32 to index
      %swap3A_416 = arith.constant 0 : index
      %swap3A_417 = tpu.vector_load %arg5[%swap3A_415, %swap3A_416] {strides = array<i32>} : memref<128x16xf32, #tpu.memory_space<vmem>>, vector<16xf32>,
      tpu.vector_store %arg5[%swap3A_415, %swap3A_416], %broadcast_in_dim3A_5 {strides = array<i32>} : memref<128x16xf32, #tpu.memory_space<vmem>>, vector<16xf32>,
      tpu.vector_store_idx %arg5[%add3A_15, %select_n3A_301], %div3A_306 : memref<128x16xf32, #tpu.memory_space<vmem>>[vector<16xi32>, vector<16xi32>], vector<16xf32>,
      %sub3A_418 = arith.constant 1.000000e+00 : f32
      %sub3A_419 = vector.broadcast %sub3A_418 : f32 to vector<16xf32>
      %sub3A_420 = arith.subf %sub3A_419, %div3A_306 : vector<16xf32>
      tpu.vector_store_idx %arg5[%add3A_15, %select_n3A_297], %sub3A_420 : memref<128x16xf32, #tpu.memory_space<vmem>>[vector<16xi32>, vector<16xi32>], vector<16xf32>,
    }
    %scan3A_10 = arith.constant 8 : i32
    "tpu.region"() ({
      %run_scoped3A = tpu.sem_alloc : memref<!tpu.dma_semaphore, #tpu.memory_space<semaphore_mem>>
      %dma_start3A = arith.constant 0 : i32
      %dma_start3A_11 = tpu.memref_slice %arg3[%mul3A_2, %dma_start3A] : memref<4096x16xf32, #tpu.memory_space<hbm>> -> memref<128x16xf32, #tpu.memory_space<hbm>>
      %dma_start3A_12 = arith.constant 0 : i32
      %dma_start3A_13 = tpu.memref_slice %arg3[%mul3A_2, %dma_start3A_12] : memref<4096x16xf32, #tpu.memory_space<hbm>> -> memref<128x16xf32, #tpu.memory_space<hbm>>
      tpu.enqueue_dma source(%arg5 : memref<128x16xf32, #tpu.memory_space<vmem>>) target(%dma_start3A_13 : memref<128x16xf32, #tpu.memory_space<hbm>>) target_semaphore(%run_scoped3A : memref<!tpu.dma_semaphore, #tpu.memory_space<semaphore_mem>>)
      %dma_wait3A = arith.constant 0 : i32
      %dma_wait3A_14 = tpu.memref_slice %arg3[%mul3A_2, %dma_wait3A] : memref<4096x16xf32, #tpu.memory_space<hbm>> -> memref<128x16xf32, #tpu.memory_space<hbm>>
      %dma_wait3A_15 = arith.constant 0 : i32
      %dma_wait3A_16 = tpu.memref_slice %arg3[%mul3A_2, %dma_wait3A_15] : memref<4096x16xf32, #tpu.memory_space<hbm>> -> memref<128x16xf32, #tpu.memory_space<hbm>>
      tpu.wait_dma2 semaphore(%run_scoped3A : memref<!tpu.dma_semaphore, #tpu.memory_space<semaphore_mem>>) src(%arg5 : memref<128x16xf32, #tpu.memory_space<vmem>>) dst(%dma_wait3A_16 : memref<128x16xf32, #tpu.memory_space<hbm>>)
      tpu.yield
    }) : () -> ()
    return
  }
}

module attributes {stable_mosaic.version = 14 : i64} {
  func.func @_moe_body(%arg0: i32, %arg1: memref<1024x1024xf32, #tpu.memory_space<vmem>>, %arg2: memref<1024x16xf32, #tpu.memory_space<vmem>>, %arg3: memref<1024x1024xf32, #tpu.memory_space<vmem>>, %arg4: memref<1024x1024xf32, #tpu.memory_space<vmem>>, %arg5: memref<1024x1024xf32, #tpu.memory_space<vmem>>, %arg6: memref<1024x1024xf32, #tpu.memory_space<vmem>>, %arg7: memref<16x1024xf32, #tpu.memory_space<vmem>>, %arg8: memref<1024x1024xbf16, #tpu.memory_space<vmem>>, %arg9: memref<1024x1024xbf16, #tpu.memory_space<vmem>>) attributes {dimension_semantics = [#tpu.dimension_semantics<arbitrary>], iteration_bounds = array<i64: 4>, scalar_prefetch = 0 : i64, scratch_operands = 3 : i64, tpu.core_type = #tpu.core_type<tc>, window_params = [{transform_indices = @transform_0, window_bounds = array<i64: 1024, 1024>}, {transform_indices = @transform_1, window_bounds = array<i64: 1024, 16>}, {pipeline_mode = #tpu.pipeline_mode<synchronous>, transform_indices = @transform_2, window_bounds = array<i64: 1024, 1024>}, {pipeline_mode = #tpu.pipeline_mode<synchronous>, transform_indices = @transform_3, window_bounds = array<i64: 1024, 1024>}, {pipeline_mode = #tpu.pipeline_mode<synchronous>, transform_indices = @transform_4, window_bounds = array<i64: 1024, 1024>}, {transform_indices = @transform_5, window_bounds = array<i64: 1024, 1024>}]} {
    %eq3A = arith.constant 0 : i32
    %eq3A_0 = arith.cmpi eq, %arg0, %eq3A : i32
    %convert_element_type3A = arith.extui %eq3A_0 : i1 to i32
    %cond3A = arith.constant 0 : i32
    %cond3A_1 = arith.cmpi ne, %convert_element_type3A, %cond3A : i32
    scf.if %cond3A_1 {
      %broadcast_in_dim3A_46 = arith.constant 0.000000e+00 : f32
      %broadcast_in_dim3A_47 = vector.broadcast %broadcast_in_dim3A_46 : f32 to vector<16x1024xf32>
      %swap3A_48 = arith.constant 0 : index
      %swap3A_49 = arith.constant 0 : index
      %swap3A_50 = vector.load %arg7[%swap3A_48, %swap3A_49] : memref<16x1024xf32, #tpu.memory_space<vmem>>, vector<16x1024xf32>
      tpu.vector_store %arg7[%swap3A_48, %swap3A_49], %broadcast_in_dim3A_47 {strides = array<i32>} : memref<16x1024xf32, #tpu.memory_space<vmem>>, vector<16x1024xf32>,
      %get3A_51 = arith.constant 0 : index
      %get3A_52 = arith.constant 0 : index
      %get3A_53 = vector.load %arg3[%get3A_51, %get3A_52] : memref<1024x1024xf32, #tpu.memory_space<vmem>>, vector<1024x1024xf32>
      %convert_element_type3A_54 = arith.truncf %get3A_53 : vector<1024x1024xf32> to vector<1024x1024xbf16>
      %swap3A_55 = arith.constant 0 : index
      %swap3A_56 = arith.constant 0 : index
      %swap3A_57 = vector.load %arg8[%swap3A_55, %swap3A_56] : memref<1024x1024xbf16, #tpu.memory_space<vmem>>, vector<1024x1024xbf16>
      tpu.vector_store %arg8[%swap3A_55, %swap3A_56], %convert_element_type3A_54 {strides = array<i32>} : memref<1024x1024xbf16, #tpu.memory_space<vmem>>, vector<1024x1024xbf16>,
      %get3A_58 = arith.constant 0 : index
      %get3A_59 = arith.constant 0 : index
      %get3A_60 = vector.load %arg4[%get3A_58, %get3A_59] : memref<1024x1024xf32, #tpu.memory_space<vmem>>, vector<1024x1024xf32>
      %convert_element_type3A_61 = arith.truncf %get3A_60 : vector<1024x1024xf32> to vector<1024x1024xbf16>
      %swap3A_62 = arith.constant 0 : index
      %swap3A_63 = arith.constant 0 : index
      %swap3A_64 = vector.load %arg9[%swap3A_62, %swap3A_63] : memref<1024x1024xbf16, #tpu.memory_space<vmem>>, vector<1024x1024xbf16>
      tpu.vector_store %arg9[%swap3A_62, %swap3A_63], %convert_element_type3A_61 {strides = array<i32>} : memref<1024x1024xbf16, #tpu.memory_space<vmem>>, vector<1024x1024xbf16>,
    } else {
    }
    %get3A = arith.constant 0 : index
    %get3A_2 = arith.constant 0 : index
    %get3A_3 = vector.load %arg1[%get3A, %get3A_2] : memref<1024x1024xf32, #tpu.memory_space<vmem>>, vector<1024x1024xf32>
    %get3A_4 = arith.constant 0 : index
    %get3A_5 = arith.constant 0 : index
    %get3A_6 = vector.load %arg2[%get3A_4, %get3A_5] : memref<1024x16xf32, #tpu.memory_space<vmem>>, vector<1024x16xf32>
    %convert_element_type3A_7 = arith.truncf %get3A_3 : vector<1024x1024xf32> to vector<1024x1024xbf16>
    %get3A_8 = arith.constant 0 : index
    %get3A_9 = arith.constant 0 : index
    %get3A_10 = vector.load %arg8[%get3A_8, %get3A_9] : memref<1024x1024xbf16, #tpu.memory_space<vmem>>, vector<1024x1024xbf16>
    %dot_general3A = arith.constant dense<0.000000e+00> : vector<1024x1024xf32>
    %dot_general3A_11 = tpu.matmul %convert_element_type3A_7, %get3A_10, %dot_general3A {dimension_numbers = #tpu.dot_dimension_numbers<[1], [1], [0], [0], [0, 0, 1, 0], [], []>, transpose_lhs_hint = false} : vector<1024x1024xbf16>, vector<1024x1024xbf16>, vector<1024x1024xf32> -> vector<1024x1024xf32>
    %logistic3A = arith.negf %dot_general3A_11 : vector<1024x1024xf32>
    %logistic3A_12 = math.exp %logistic3A : vector<1024x1024xf32>
    %logistic3A_13 = arith.constant 1.000000e+00 : f32
    %logistic3A_14 = vector.broadcast %logistic3A_13 : f32 to vector<1024x1024xf32>
    %logistic3A_15 = arith.addf %logistic3A_14, %logistic3A_12 : vector<1024x1024xf32>
    %logistic3A_16 = arith.divf %logistic3A_14, %logistic3A_15 : vector<1024x1024xf32>
    %mul3A = arith.mulf %dot_general3A_11, %logistic3A_16 : vector<1024x1024xf32>
    %convert_element_type3A_17 = arith.truncf %mul3A : vector<1024x1024xf32> to vector<1024x1024xbf16>
    %get3A_18 = arith.constant 0 : index
    %get3A_19 = arith.constant 0 : index
    %get3A_20 = vector.load %arg9[%get3A_18, %get3A_19] : memref<1024x1024xbf16, #tpu.memory_space<vmem>>, vector<1024x1024xbf16>
    %dot_general3A_21 = arith.constant dense<0.000000e+00> : vector<1024x1024xf32>
    %dot_general3A_22 = tpu.matmul %convert_element_type3A_17, %get3A_20, %dot_general3A_21 {dimension_numbers = #tpu.dot_dimension_numbers<[1], [1], [0], [0], [0, 0, 1, 0], [], []>, transpose_lhs_hint = false} : vector<1024x1024xbf16>, vector<1024x1024xbf16>, vector<1024x1024xf32> -> vector<1024x1024xf32>
    %logistic3A_23 = arith.negf %dot_general3A_22 : vector<1024x1024xf32>
    %logistic3A_24 = math.exp %logistic3A_23 : vector<1024x1024xf32>
    %logistic3A_25 = arith.constant 1.000000e+00 : f32
    %logistic3A_26 = vector.broadcast %logistic3A_25 : f32 to vector<1024x1024xf32>
    %logistic3A_27 = arith.addf %logistic3A_26, %logistic3A_24 : vector<1024x1024xf32>
    %logistic3A_28 = arith.divf %logistic3A_26, %logistic3A_27 : vector<1024x1024xf32>
    %mul3A_29 = arith.mulf %dot_general3A_22, %logistic3A_28 : vector<1024x1024xf32>
    %get3A_30 = arith.constant 0 : index
    %get3A_31 = arith.constant 0 : index
    %get3A_32 = vector.load %arg7[%get3A_30, %get3A_31] : memref<16x1024xf32, #tpu.memory_space<vmem>>, vector<16x1024xf32>
    %dot_general3A_33 = arith.constant dense<0.000000e+00> : vector<16x1024xf32>
    %dot_general3A_34 = tpu.matmul %get3A_6, %mul3A_29, %dot_general3A_33 {dimension_numbers = #tpu.dot_dimension_numbers<[0], [0], [1], [1], [0, 1, 1, 1], [], []>, transpose_lhs_hint = false} : vector<1024x16xf32>, vector<1024x1024xf32>, vector<16x1024xf32> -> vector<16x1024xf32>
    %add3A = arith.addf %get3A_32, %dot_general3A_34 : vector<16x1024xf32>
    %swap3A = arith.constant 0 : index
    %swap3A_35 = arith.constant 0 : index
    %swap3A_36 = vector.load %arg7[%swap3A, %swap3A_35] : memref<16x1024xf32, #tpu.memory_space<vmem>>, vector<16x1024xf32>
    tpu.vector_store %arg7[%swap3A, %swap3A_35], %add3A {strides = array<i32>} : memref<16x1024xf32, #tpu.memory_space<vmem>>, vector<16x1024xf32>,
    %broadcast_in_dim3A = arith.constant 0.000000e+00 : f32
    %broadcast_in_dim3A_37 = vector.broadcast %broadcast_in_dim3A : f32 to vector<1024x1024xf32>
    %swap3A_38 = arith.constant 0 : index
    %swap3A_39 = arith.constant 0 : index
    %swap3A_40 = vector.load %arg6[%swap3A_38, %swap3A_39] : memref<1024x1024xf32, #tpu.memory_space<vmem>>, vector<1024x1024xf32>
    tpu.vector_store %arg6[%swap3A_38, %swap3A_39], %broadcast_in_dim3A_37 {strides = array<i32>} : memref<1024x1024xf32, #tpu.memory_space<vmem>>, vector<1024x1024xf32>,
    %eq3A_41 = arith.constant 3 : i32
    %eq3A_42 = arith.cmpi eq, %arg0, %eq3A_41 : i32
    %convert_element_type3A_43 = arith.extui %eq3A_42 : i1 to i32
    %cond3A_44 = arith.constant 0 : i32
    %cond3A_45 = arith.cmpi ne, %convert_element_type3A_43, %cond3A_44 : i32
    scf.if %cond3A_45 {
      %get3A_46 = arith.constant 0 : index
      %get3A_47 = arith.constant 0 : index
      %get3A_48 = vector.load %arg7[%get3A_46, %get3A_47] : memref<16x1024xf32, #tpu.memory_space<vmem>>, vector<16x1024xf32>
      %get3A_49 = arith.constant 0 : index
      %get3A_50 = arith.constant 0 : index
      %get3A_51 = vector.load %arg5[%get3A_49, %get3A_50] : memref<1024x1024xf32, #tpu.memory_space<vmem>>, vector<1024x1024xf32>
      %dot_general3A_52 = arith.constant dense<0.000000e+00> : vector<16x1024xf32>
      %dot_general3A_53 = tpu.matmul %get3A_48, %get3A_51, %dot_general3A_52 {dimension_numbers = #tpu.dot_dimension_numbers<[1], [1], [0], [0], [0, 0, 1, 0], [], []>, transpose_lhs_hint = false} : vector<16x1024xf32>, vector<1024x1024xf32>, vector<16x1024xf32> -> vector<16x1024xf32>
      %swap3A_54 = arith.constant 0 : index
      %swap3A_55 = arith.constant 0 : index
      %swap3A_56 = vector.load %arg6[%swap3A_54, %swap3A_55] : memref<1024x1024xf32, #tpu.memory_space<vmem>>, vector<16x1024xf32>
      tpu.vector_store %arg6[%swap3A_54, %swap3A_55], %dot_general3A_53 {strides = array<i32>} : memref<1024x1024xf32, #tpu.memory_space<vmem>>, vector<16x1024xf32>,
    } else {
    }
    return
  }
  func.func @transform_0(%arg0: i32) -> (i32, i32) {
    %add3A = arith.constant 1 : i32
    %add3A_0 = arith.addi %arg0, %add3A : i32
    %jit3A = arith.constant 4 : i32
    %eq3A = arith.constant 0 : i32
    %eq3A_1 = arith.cmpi eq, %jit3A, %eq3A : i32
    %jit3A_2 = arith.constant 1 : i32
    %select_n3A = arith.select %eq3A_1, %jit3A_2, %jit3A : i32
    %rem3A = arith.remsi %add3A_0, %select_n3A : i32
    %ne3A = arith.constant 0 : i32
    %ne3A_3 = arith.cmpi ne, %rem3A, %ne3A : i32
    %lt3A = arith.constant 0 : i32
    %lt3A_4 = arith.cmpi slt, %rem3A, %lt3A : i32
    %lt3A_5 = arith.constant 0 : i32
    %lt3A_6 = arith.cmpi slt, %select_n3A, %lt3A_5 : i32
    %ne3A_7 = arith.xori %lt3A_4, %lt3A_6 : i1
    %and3A = arith.andi %ne3A_7, %ne3A_3 : i1
    %add3A_8 = arith.addi %rem3A, %select_n3A : i32
    %select_n3A_9 = arith.select %and3A, %add3A_8, %rem3A : i32
    %c0_i32 = arith.constant 0 : i32
    %c0_i32_10 = arith.constant 0 : i32
    return %select_n3A_9, %c0_i32 : i32, i32
  }
  func.func @transform_1(%arg0: i32) -> (i32, i32) {
    %add3A = arith.constant 1 : i32
    %add3A_0 = arith.addi %arg0, %add3A : i32
    %jit3A = arith.constant 4 : i32
    %eq3A = arith.constant 0 : i32
    %eq3A_1 = arith.cmpi eq, %jit3A, %eq3A : i32
    %jit3A_2 = arith.constant 1 : i32
    %select_n3A = arith.select %eq3A_1, %jit3A_2, %jit3A : i32
    %rem3A = arith.remsi %add3A_0, %select_n3A : i32
    %ne3A = arith.constant 0 : i32
    %ne3A_3 = arith.cmpi ne, %rem3A, %ne3A : i32
    %lt3A = arith.constant 0 : i32
    %lt3A_4 = arith.cmpi slt, %rem3A, %lt3A : i32
    %lt3A_5 = arith.constant 0 : i32
    %lt3A_6 = arith.cmpi slt, %select_n3A, %lt3A_5 : i32
    %ne3A_7 = arith.xori %lt3A_4, %lt3A_6 : i1
    %and3A = arith.andi %ne3A_7, %ne3A_3 : i1
    %add3A_8 = arith.addi %rem3A, %select_n3A : i32
    %select_n3A_9 = arith.select %and3A, %add3A_8, %rem3A : i32
    %c0_i32 = arith.constant 0 : i32
    %c0_i32_10 = arith.constant 0 : i32
    return %select_n3A_9, %c0_i32 : i32, i32
  }
  func.func @transform_2(%arg0: i32) -> (i32, i32) {
    %c0_i32 = arith.constant 0 : i32
    %c0_i32_0 = arith.constant 0 : i32
    %c0_i32_1 = arith.constant 0 : i32
    return %c0_i32, %c0_i32_0 : i32, i32
  }
  func.func @transform_3(%arg0: i32) -> (i32, i32) {
    %c0_i32 = arith.constant 0 : i32
    %c0_i32_0 = arith.constant 0 : i32
    %c0_i32_1 = arith.constant 0 : i32
    return %c0_i32, %c0_i32_0 : i32, i32
  }
  func.func @transform_4(%arg0: i32) -> (i32, i32) {
    %c0_i32 = arith.constant 0 : i32
    %c0_i32_0 = arith.constant 0 : i32
    %c0_i32_1 = arith.constant 0 : i32
    return %c0_i32, %c0_i32_0 : i32, i32
  }
  func.func @transform_5(%arg0: i32) -> (i32, i32) {
    %add3A = arith.constant 1 : i32
    %add3A_0 = arith.addi %arg0, %add3A : i32
    %jit3A = arith.constant 4 : i32
    %eq3A = arith.constant 0 : i32
    %eq3A_1 = arith.cmpi eq, %jit3A, %eq3A : i32
    %jit3A_2 = arith.constant 1 : i32
    %select_n3A = arith.select %eq3A_1, %jit3A_2, %jit3A : i32
    %rem3A = arith.remsi %add3A_0, %select_n3A : i32
    %ne3A = arith.constant 0 : i32
    %ne3A_3 = arith.cmpi ne, %rem3A, %ne3A : i32
    %lt3A = arith.constant 0 : i32
    %lt3A_4 = arith.cmpi slt, %rem3A, %lt3A : i32
    %lt3A_5 = arith.constant 0 : i32
    %lt3A_6 = arith.cmpi slt, %select_n3A, %lt3A_5 : i32
    %ne3A_7 = arith.xori %lt3A_4, %lt3A_6 : i1
    %and3A = arith.andi %ne3A_7, %ne3A_3 : i1
    %add3A_8 = arith.addi %rem3A, %select_n3A : i32
    %select_n3A_9 = arith.select %and3A, %add3A_8, %rem3A : i32
    %c0_i32 = arith.constant 0 : i32
    %c0_i32_10 = arith.constant 0 : i32
    return %select_n3A_9, %c0_i32 : i32, i32
  }
}

module attributes {stable_mosaic.version = 14 : i64} {
  func.func @_logits_body(%arg0: i32, %arg1: memref<1024x1024xf32, #tpu.memory_space<vmem>>, %arg2: memref<16x1024xf32, #tpu.memory_space<vmem>>, %arg3: memref<1024x16xf32, #tpu.memory_space<vmem>>) attributes {dimension_semantics = [#tpu.dimension_semantics<arbitrary>], iteration_bounds = array<i64: 4>, scalar_prefetch = 0 : i64, scratch_operands = 0 : i64, tpu.core_type = #tpu.core_type<tc>, window_params = [{transform_indices = @transform_0, window_bounds = array<i64: 1024, 1024>}, {pipeline_mode = #tpu.pipeline_mode<synchronous>, transform_indices = @transform_1, window_bounds = array<i64: 16, 1024>}, {transform_indices = @transform_2, window_bounds = array<i64: 1024, 16>}]} {
    %get3A = arith.constant 0 : index
    %get3A_0 = arith.constant 0 : index
    %get3A_1 = vector.load %arg1[%get3A, %get3A_0] : memref<1024x1024xf32, #tpu.memory_space<vmem>>, vector<1024x1024xf32>
    %get3A_2 = arith.constant 0 : index
    %get3A_3 = arith.constant 0 : index
    %get3A_4 = vector.load %arg2[%get3A_2, %get3A_3] : memref<16x1024xf32, #tpu.memory_space<vmem>>, vector<16x1024xf32>
    %dot_general3A = arith.constant dense<0.000000e+00> : vector<1024x16xf32>
    %dot_general3A_5 = tpu.matmul %get3A_1, %get3A_4, %dot_general3A {dimension_numbers = #tpu.dot_dimension_numbers<[1], [1], [0], [0], [0, 0, 1, 0], [], []>, transpose_lhs_hint = false} : vector<1024x1024xf32>, vector<16x1024xf32>, vector<1024x16xf32> -> vector<1024x16xf32>
    %swap3A = arith.constant 0 : index
    %swap3A_6 = arith.constant 0 : index
    %swap3A_7 = vector.load %arg3[%swap3A, %swap3A_6] : memref<1024x16xf32, #tpu.memory_space<vmem>>, vector<1024x16xf32>
    tpu.vector_store %arg3[%swap3A, %swap3A_6], %dot_general3A_5 {strides = array<i32>} : memref<1024x16xf32, #tpu.memory_space<vmem>>, vector<1024x16xf32>,
    return
  }
  func.func @transform_0(%arg0: i32) -> (i32, i32) {
    %c0_i32 = arith.constant 0 : i32
    %c0_i32_0 = arith.constant 0 : i32
    return %arg0, %c0_i32 : i32, i32
  }
  func.func @transform_1(%arg0: i32) -> (i32, i32) {
    %c0_i32 = arith.constant 0 : i32
    %c0_i32_0 = arith.constant 0 : i32
    %c0_i32_1 = arith.constant 0 : i32
    return %c0_i32, %c0_i32_0 : i32, i32
  }
  func.func @transform_2(%arg0: i32) -> (i32, i32) {
    %c0_i32 = arith.constant 0 : i32
    %c0_i32_0 = arith.constant 0 : i32
    return %arg0, %c0_i32 : i32, i32
  }
}

</mosaic_0001>

<sc_bundles>
// kernel: kernel.5.cloned.1.call-start
scs
__scs_entry_jumppad:
0x0: {  	(pc) =	sbr.rel $0x88, $3  }
0x1: {  	(tag) =	ssettag $0x0;
	lr =	simm.s32 $0x1  }
0x2: {  	[smem:$0x3F9C] =	sst lr;
	_ =	strace $0xD0000000  }
0x3: {  	_ = 	snop  }
0x4: {  	_ = 	snop  }
0x5: {  	_ = 	snop  }
0x6: {  	_ = 	snop  }
0x7: {  	_ = 	snop  }
__scs_overlays_trampoline_lowered:
0x8: {  	[smem:$0x3FAB] =	sst s0  }
0x9: {  	[smem:$0x3FAC] =	sst s1  }
0xa: {  	[smem:$0x3FAD] =	sst s2  }
0xb: {  	[smem:$0x3FAE] =	sst s3  }
0xc: {  	[smem:$0x3FAF] =	sst s4  }
0xd: {  	[smem:$0x3FB0] =	sst s5  }
0xe: {  	[smem:$0x3FB1] =	sst s6  }
0xf: {  	[smem:$0x3FB2] =	sst s7  }
0x10: {  	[smem:$0x3FB3] =	sst s8  }
0x11: {  	[smem:$0x3FB4] =	sst s9;
	s0 =	simm.s32 @!p0 $0x0  }
0x12: {  	s1 =	sld [smem:$0x3F9A];
	s0 =	simm.s32 @p0 $0x1  }
0x13: {  	[smem:$0x3FB5] =	sst s0;
	s0 =	simm.s32 @!p1 $0x0  }
0x14: {  	s2 =	sld [smem:$0x3F99];
	s0 =	simm.s32 @p1 $0x1  }
0x15: {  	[smem:$0x3FB6] =	sst s0;
	s0 =	simm.s32 @!p2 $0x0  }
0x16: {  	s3 =	sld [smem:$0x3FDB];
	s0 =	simm.s32 @p2 $0x1  }
0x17: {  	s4 =	simm.s32 $0x1BF5;
	[smem:$0x3FB8] =	sst s0  }
0x18: {  	s0 =	sld [smem:$0x3F9B];
	_ =	swait.ge [sflag:s4], $0x0  }
0x19: {  	s7 =	sld [smem:$0x3F9C]  }
0x1a: {  	s8 =	sadd.s32 $0xFFFFE003, lr  }
0x1b: {  	s9 =	sadd.s32 $0xFFFFFEF7, lr;
	s5 =	simm.s32 $0xFFFFFFFF;
	p2 =	slt.u32 s8, $0xFFFFF086  }
0x1c: {  	p1 =	slt.u32 s9, $0xF7A;
	s5 =	simm.s32 @!p2 $0x0  }
0x1d: {  	s5 =	simm.s32 @p1 $0x1;
	p0 =	seq.s32 s7, s2  }
0x1e: {  	s7 =	smul.u32 @!p0 $0xF7A, s2;
	p2 =	seq.s32 @!p0 s5, $0x0  }
0x1f: {  	s9 =	smul.u32 $0xF7A, s1;
	s8 =	simm.s32 @!p0 $0x1BF5;
	p2 =	por !p2, p0  }
0x20: {  	[sflag:s8] =	ssyncset.s32 @!p0 $0xFFFFF086;
	s6 =	sadd.s32 @!p0 s3, s7;
	s7 =	simm.s32 @!p0 $0x108  }
0x21: {  	s3 =	sadd.s32 s3, s9;
	s6 =	sadd.s32 @!p0 $0x88, s6;
	s7 =	simm.s32 @p2 $0x1082  }
0x22: {  	[simem:s7], [sflag:s8] =	dma.local @!p0 [hbm:s6], $0xF7A  }
0x23: {  	s9 =	sor.u32 $0xD0000000, s2;
	s6 =	simm.s32 $0x108;
	_ =	swait.ge @!p0 [sflag:s8], $0x0  }
0x24: {  	s3 =	sadd.s32 $0x88, s3;
	s6 =	simm.s32 @!p1 $0x1082;
	[sflag:s4] =	ssyncset.s32 $0xFFFFF086  }
0x25: {  	[simem:s6], [sflag:s4] =	dma.local [hbm:s3], $0xF7A  }
0x26: {  	[smem:$0x3F9C] =	sst s1;
	(tag) =	ssettag s2;
	_ =	strace s9  }
0x27: {  	s1 =	sld [smem:$0x3FAC]  }
0x28: {  	s2 =	sld [smem:$0x3FAD]  }
0x29: {  	s4 =	sld [smem:$0x3FAF]  }
0x2a: {  	p0 =	seq.s32 s5, $0x0;
	s5 =	sld [smem:$0x3FB0]  }
0x2b: {  	s6 =	sld [smem:$0x3FB1]  }
0x2c: {  	s7 =	sld [smem:$0x3FB2]  }
0x2d: {  	s3 =	simm.s32 $0x108;
	s8 =	sld [smem:$0x3FB3]  }
0x2e: {  	s3 =	simm.s32 @!p0 $0x1082;
	s9 =	sld [smem:$0x3FB4]  }
0x2f: {  	lr =	sadd.s32 s0, s3;
	s0 =	sld [smem:$0x3FAB]  }
0x30: {  	s3 =	sld [smem:$0x3FAE]  }
0x31: {  	[smem:$0x3FB7] =	sst s10  }
0x32: {  	s10 =	sld [smem:$0x3FB5];
	_ =	sdelay $0x3  }
0x33: {  	p0 =	seq.s32 s10, $0x1;
	s10 =	sld [smem:$0x3FB7];
	_ =	sdelay $0x3  }
0x34: {  	[smem:$0x3FB7] =	sst s10  }
0x35: {  	s10 =	sld [smem:$0x3FB6];
	_ =	sdelay $0x3  }
0x36: {  	p1 =	seq.s32 s10, $0x1;
	s10 =	sld [smem:$0x3FB7];
	_ =	sdelay $0x3  }
0x37: {  	[smem:$0x3FB7] =	sst s10  }
0x38: {  	s10 =	sld [smem:$0x3FB8]  }
0x39: {  	_ = 	snop;
	(pc) =	sbr.ind lr, $3  }
0x3a: {  	_ = 	snop  }
0x3b: {  	_ = 	snop  }
0x3c: {  	p2 =	seq.s32 s10, $0x1;
	s10 =	sld [smem:$0x3FB7]  }
0x3d: {  	_ =	shalt  }
0x3e: {  	_ =	shalt  }
0x3f: {  	_ =	shalt  }
0x40: {  	_ =	shalt  }
0x41: {  	_ =	shalt  }
0x42: {  	_ =	shalt  }
0x43: {  	_ =	shalt  }
0x44: {  	_ =	shalt  }
0x45: {  	_ =	shalt  }
0x46: {  	_ =	shalt  }
0x47: {  	_ =	shalt  }
0x48: {  	_ =	shalt  }
0x49: {  	_ =	shalt  }
0x4a: {  	_ =	shalt  }
0x4b: {  	_ =	shalt  }
0x4c: {  	_ =	shalt  }
0x4d: {  	_ =	shalt  }
0x4e: {  	_ =	shalt  }
0x4f: {  	_ =	shalt  }
0x50: {  	_ =	shalt  }
0x51: {  	_ =	shalt  }
0x52: {  	_ =	shalt  }
0x53: {  	_ =	shalt  }
0x54: {  	_ =	shalt  }
0x55: {  	_ =	shalt  }
0x56: {  	_ =	shalt  }
0x57: {  	_ =	shalt  }
0x58: {  	_ =	shalt  }
0x59: {  	_ =	shalt  }
0x5a: {  	_ =	shalt  }
0x5b: {  	_ =	shalt  }
0x5c: {  	_ =	shalt  }
0x5d: {  	_ =	shalt  }
0x5e: {  	_ =	shalt  }
0x5f: {  	_ =	shalt  }
0x60: {  	_ =	shalt  }
0x61: {  	_ =	shalt  }
0x62: {  	_ =	shalt  }
0x63: {  	_ =	shalt  }
0x64: {  	_ =	shalt  }
0x65: {  	_ =	shalt  }
0x66: {  	_ =	shalt  }
0x67: {  	_ =	shalt  }
0x68: {  	_ =	shalt  }
0x69: {  	_ =	shalt  }
0x6a: {  	_ =	shalt  }
0x6b: {  	_ =	shalt  }
0x6c: {  	_ =	shalt  }
0x6d: {  	_ =	shalt  }
0x6e: {  	_ =	shalt  }
0x6f: {  	_ =	shalt  }
0x70: {  	_ =	shalt  }
0x71: {  	_ =	shalt  }
0x72: {  	_ =	shalt  }
0x73: {  	_ =	shalt  }
0x74: {  	_ =	shalt  }
0x75: {  	_ =	shalt  }
0x76: {  	_ =	shalt  }
0x77: {  	_ =	shalt  }
0x78: {  	_ =	shalt  }
0x79: {  	_ =	shalt  }
0x7a: {  	_ =	shalt  }
0x7b: {  	_ =	shalt  }
0x7c: {  	_ =	shalt  }
0x7d: {  	_ =	shalt  }
0x7e: {  	_ =	shalt  }
0x7f: {  	_ =	shalt  }
0x80: {  	_ =	shalt  }
0x81: {  	_ =	shalt  }
0x82: {  	_ =	shalt  }
0x83: {  	_ =	shalt  }
0x84: {  	_ =	shalt  }
0x85: {  	_ =	shalt  }
0x86: {  	_ =	shalt  }
0x87: {  	_ =	shalt  }
.Lfunc_end0:
.L_simem_size_0:
called_computation_lowered:
.L_overlay_start_0:
0x88: {  	s2 =	sld [smem:$0x3FD9]  }
0x89: {  	s3 =	sld [smem:$0x3FFE];
	_ =	sdelay $0x1  }
0x8a: {  	s1 =	srdreg.scid  }
0x8b: {  	s0 =	sand.u32 $0x1, s1  }
0x8c: {  	s17 =	sshll.u32 s0, $0xA;
	s2 =	sadd.s32 s3, s2  }
0x8d: {  	s2 =	sadd.s32 s2, s17  }
0x8e: {  	[smem:$0x3FC3] =	sst s2  }
0x8f: {  	_ = 	snop  }
0x90: {  	s2 =	sld [smem:$0x3FD0];
	(tm) =	ssettm $0x1  }
0x91: {  	s18 =	sld [smem:$0x3FFB];
	_ =	sdelay $0x3  }
0x92: {  	_ =	strace s18  }
0x93: {  	s3 =	sld [smem:$0x3FFC];
	_ =	sdelay $0x3  }
0x94: {  	_ =	strace s3  }
0x95: {  	s3 =	sld [smem:$0x3FFD];
	_ =	sdelay $0x3  }
0x96: {  	_ =	strace s3  }
0x97: {  	_ =	strace $0x8FFFFFFF  }
0x98: {  	s19 =	sld [smem:$0x3FDB];
	_ =	sdelay $0x1  }
0x99: {  	s4 =	simm.s32 $_scs_section_size  }
0x9a: {  	s5 =	simm.s32 $_size__tile_overlayer_lowered;
	s6 =	simm.s32 $_tile_overlayer_lowered  }
0x9b: {  	s22 =	simm.s32 $0x1BFF;
	s21 =	sshll.u32 s6, $0x1;
	s3 =	sadd.s32 s4, s19  }
0x9c: {  	s7 =	simm.s32 $0x0;
	s20 =	sshll.u32 s5, $0x1;
	s5 =	sadd.s32 s21, s3  }
0x9d: {  	[timem:s7], [sflag:s22] =	dma.local [hbm:s5], s20  }
0x9e: {  	_ =	swait.ge [sflag:s22], s20  }
0x9f: {  	s4 =	ssub.s32 $0x0, s20;
	[sflag:s22] =	ssyncset.done $0x0  }
0xa0: {  	[sflag:s22] =	ssyncadd.s32 s4;
	_ =	sdelay $0x1  }
0xa1: {  	s23 =	simm.s32 $0x1B8B  }
0xa2: {  	_ =	swait.ge [sflag:s23], $0x1  }
0xa3: {  	[sflag:s23] =	ssyncset.done $0x0  }
0xa4: {  	s25 =	simm.s32 $0x1B8E;
	s24 =	sld [smem:$0x3FFE];
	[sflag:s23] =	ssyncadd.s32 $0xFFFFFFFF  }
0xa5: {  	s26 =	simm.s32 $execute0_lowered;
	[smem:$0x3FD2] =	sst s25  }
0xa6: {  	s5 =	sshll.u32 s26, $0x1;
	_ =	strace $0x80000046;
	[dreg:$0x1] =	wrdreg $0xFFFFFFFF  }
0xa7: {  	s28 =	simm.s32 $_size_execute0_lowered;
	s3 =	sadd.s32 s3, s5;
	[dreg:$0x0] =	wrdreg $0x0  }
0xa8: {  	s5 =	sshll.u32 s28, $0x1;
	[dreg:$0x2] =	wrdreg s3  }
0xa9: {  	[dreg:$0x3] =	wrdreg s5  }
0xaa: {  	[dreg:$0x4] =	wrdreg $0xC0  }
0xab: {  	_ =	task [dreg:s7], $0x5FFFF  }
0xac: {  	[dreg:$0x1] =	wrdreg $0xFFFFFFFF  }
0xad: {  	[dreg:$0x0] =	wrdreg $0x60  }
0xae: {  	[dreg:$0x2] =	wrdreg s2  }
0xaf: {  	[dreg:$0x3] =	wrdreg s24  }
0xb0: {  	[dreg:$0x4] =	wrdreg $0x9  }
0xb1: {  	_ =	task.clear_ibuf [dreg:s7], $0x5FFFF;
	_ =	strace $0x90000046  }
0xb2: {  	s29 =	simm.s32 $0x9;
	_ =	strace $0x80000048  }
0xb3: {  	_ =	swait.ge [sflag:s29], $0x1  }
0xb4: {  	[sflag:s29] =	ssyncadd.s32 $0xFFFFFFFF  }
0xb5: {  	_ =	strace $0x90000048  }
0xb6: {  	_ =	sfence  }
0xb7: {  	s30 =	sld [smem:$0x0];
	_ =	sdelay $0x2  }
0xb8: {  	s31 =	sshll.u32 s1, $0xD;
	s1 =	sshrl.u32 s1, $0x2  }
0xb9: {  	s3 =	sand.u32 $0x4000, s31;
	s1 =	sadd.s32 s1, s30  }
0xba: {  	s0 =	sor.u32 s3, s0;
	s1 =	sshll.u32 s1, $0x11  }
0xbb: {  	s0 =	sor.u32 s1, s0  }
0xbc: {  	s0 =	sadd.s32 $0x8F2B, s0  }
0xbd: {  	[sflag:s0] =	ssyncadd.remote.s32 $0x1  }
0xbe: {  	_ =	sfence.sel $0xFFFF  }
0xbf: {  	[dreg:$0x0] =	wrdreg $0xFFFFFFFF;
	(pc) =	sbr.abs _section_cstart, $3  }
0xc0: {  	[dreg:$0x1] =	wrdreg $0xFFFFFFFF  }
0xc1: {  	_ =	task.clear_ibuf [dreg:s7], $0x2FFFF;
	_ =	strace $0x9FFFFFFF  }
0xc2: {  	(tm) =	ssettm $0x7FFFFFFF  }
0xc3: {  	_ =	shalt  }
tec
execute0_lowered:
.L_overlay_start_1:
0x0: {  	(tag) =	ssettag $0x1  }
0x1: {  	s3 =	rddreg [dreg:$0x0]  }
0x2: {  	s4 =	rddreg [dreg:$0x1]  }
0x3: {  	s0 =	rddreg [dreg:$0x2];
	s5 =	srdreg.scid  }
0x4: {  	s2 =	simm.s32 $0x0;
	s1 =	stileid.u32;
	s8 =	simm.s32 $0x0  }
0x5: {  	s5 =	sand.u32 $0x1, s5;
	s6 =	sshll.u32 s1, $0xC;
	[smem:$0x7FF] =	sst s2  }
0x6: {  	s7 =	sshll.u32 s5, $0xB;
	s5 =	ssub.s32 $0x2, s5;
	_ =	strace $0x80000047  }
0x7: {  	s6 =	sor.u32 s7, s6;
	s31 =	sshrl.u32 s5, $0x1;
	s7 =	simm.s32 $0x4000  }
0x8: {  	v0 =	vlaneseq.u32;
	s4 =	sadd.s32 s6, s4;
	s5 =	ssub.s32 s5, s31;
	s3 =	sadd.s32 s3, s6  }
0x9: {  	v1 =	vimm.s32 $0x0;
	v2 =	vimm.f32 $0.0e+00;
	v0 =	vmul.u32 $0x80, v0;
	s6 =	simm.s32 $0x1;
	s4 =	sadd.s32 $0x1200, s4;
	s5 =	smax.u32 s5, $0x1  }
.LBB2_1:
0xa: {  	v3 =	vmov s2  }
0xb: {  	v3 =	vshll.u32 v3, $0x7  }
0xc: {  	v3 =	vor.u32 v0, v3  }
0xd: {  	[tilespmem:s2], [sflag:$0x1] =	stream.linear.gather [hbm4b:s3+s2], $0x4000, $0x38;
	[tilespmem:$0x8000] =	vst v63  }
0xe: {  	_ =	swait.ge [sflag:s6], $0x4000;
	v4 =	vor.u32 $0x1, v3  }
0xf: {  	[sflag:s6] =	ssyncset.done $0x0  }
0x10: {  	[sflag:s6] =	ssyncadd.s32 $0xFFFFC000  }
0x11: {  	v5 =	vld.idx.msk [tilespmem:v3+s2+$0x0], $0xffff;
	_ =	sdelay $0x1  }
0x12: {  	v6 =	vor.u32 $0x2, v3;
	v4 =	vld.idx.msk [tilespmem:v4+s2+$0x0], $0xffff;
	_ =	sdelay $0x2  }
0x13: {  	vm0 =	vgt.f32 v5, $-Inf  }
0x14: {  	v7 =	vor.u32 $0x3, v3;
	v5 =	vnsel vm0, $0xFF800000, v5  }
0x15: {  	v6 =	vld.idx.msk [tilespmem:v6+s2+$0x0], $0xffff;
	vm13 =	vlt.f32 v4, $-Inf;
	vm1 =	vgt.f32 v4, $-Inf;
	vm11 =	vgt.f32 v4, v5  }
0x16: {  	vm0 =	vmor vm1, vm13;
	vm2 =	vmneg vm11  }
0x17: {  	v9 =	vimm.s32 $0x0;
	vm0 =	vmand vm0, vm2  }
0x18: {  	v9 =	vsel vm0, $0xFFFFFFFF, v9  }
0x19: {  	v8 =	vor.u32 $0x4, v3;
	[tilespmem:$0x1FF30] =	vst v9;
	v9 =	vsel vm2, v5, v4;
	v4 =	vnsel vm0, $0xFF800000, v4  }
0x1a: {  	v7 =	vld.idx.msk [tilespmem:v7+s2+$0x0], $0xffff;
	vm14 =	vgt.f32 v6, v9;
	v4 =	vsel vm2, v4, v5  }
0x1b: {  	vm10 =	vmneg vm14;
	vm15 =	vgt.f32 v6, v4  }
0x1c: {  	v10 =	vimm.s32 $0x0;
	vm0 =	vmand vm10, vm15  }
0x1d: {  	v10 =	vsel vm0, $0xFFFFFFFF, v10  }
0x1e: {  	v8 =	vld.idx.msk [tilespmem:v8+s2+$0x0], $0xffff;
	v5 =	vor.u32 $0x5, v3;
	v4 =	vsel vm0, v6, v4;
	[tilespmem:$0x1FF40] =	vst v10;
	v10 =	vsel vm10, v9, v6  }
0x1f: {  	v4 =	vsel vm10, v4, v9;
	vm4 =	vgt.f32 v7, v10  }
0x20: {  	vm5 =	vgt.f32 v7, v4;
	vm8 =	vmneg vm4  }
0x21: {  	vm0 =	vmand vm8, vm5  }
0x22: {  	v4 =	vsel vm0, v7, v4;
	v7 =	vsel vm8, v10, v7  }
0x23: {  	v6 =	vor.u32 $0x6, v3;
	v5 =	vld.idx.msk [tilespmem:v5+s2+$0x0], $0xffff;
	v4 =	vsel vm8, v4, v10;
	vm6 =	vgt.f32 v8, v7  }
0x24: {  	v9 =	vimm.s32 $0x0;
	vm6 =	vmneg vm6;
	vm7 =	vgt.f32 v8, v4  }
0x25: {  	v9 =	vsel vm0, $0xFFFFFFFF, v9;
	v10 =	vimm.s32 $0x0;
	vm0 =	vmand vm6, vm7  }
0x26: {  	[tilespmem:$0x1FF50] =	vst v9;
	v10 =	vsel vm0, $0xFFFFFFFF, v10  }
0x27: {  	v9 =	vor.u32 $0x7, v3;
	v4 =	vsel vm0, v8, v4;
	[tilespmem:$0x1FF60] =	vst v10;
	v10 =	vsel vm6, v7, v8  }
0x28: {  	v6 =	vld.idx.msk [tilespmem:v6+s2+$0x0], $0xffff;
	v4 =	vsel vm6, v4, v7;
	vm9 =	vgt.f32 v5, v10  }
0x29: {  	vm12 =	vgt.f32 v5, v4;
	vm7 =	vmneg vm9  }
0x2a: {  	v8 =	vimm.s32 $0x0;
	vm0 =	vmand vm7, vm12  }
0x2b: {  	v8 =	vsel vm0, $0xFFFFFFFF, v8  }
0x2c: {  	v7 =	vor.u32 $0x8, v3;
	v4 =	vsel vm0, v5, v4;
	[tilespmem:$0x1FF70] =	vst v8;
	v8 =	vld.idx.msk [tilespmem:v9+s2+$0x0], $0xffff;
	v9 =	vsel vm7, v10, v5  }
0x2d: {  	v4 =	vsel vm7, v4, v10;
	vm13 =	vgt.f32 v6, v9  }
0x2e: {  	vm14 =	vgt.f32 v6, v4;
	vm9 =	vmneg vm13  }
0x2f: {  	v10 =	vimm.s32 $0x0;
	vm0 =	vmand vm9, vm14  }
0x30: {  	v10 =	vsel vm0, $0xFFFFFFFF, v10  }
0x31: {  	v5 =	vor.u32 $0x9, v3;
	v7 =	vld.idx.msk [tilespmem:v7+s2+$0x0], $0xffff;
	v4 =	vsel vm0, v6, v4;
	[tilespmem:$0x1FF80] =	vst v10;
	v10 =	vsel vm9, v9, v6  }
0x32: {  	v4 =	vsel vm9, v4, v9;
	vm15 =	vgt.f32 v8, v10  }
0x33: {  	vm4 =	vgt.f32 v8, v4;
	vm12 =	vmneg vm15  }
0x34: {  	vm0 =	vmand vm12, vm4  }
0x35: {  	v4 =	vsel vm0, v8, v4;
	v8 =	vsel vm12, v10, v8  }
0x36: {  	v6 =	vor.u32 $0xA, v3;
	v5 =	vld.idx.msk [tilespmem:v5+s2+$0x0], $0xffff;
	v4 =	vsel vm12, v4, v10;
	vm5 =	vgt.f32 v7, v8  }
0x37: {  	v9 =	vimm.s32 $0x0;
	vm14 =	vmneg vm5;
	vm13 =	vgt.f32 v7, v4  }
0x38: {  	v9 =	vsel vm0, $0xFFFFFFFF, v9;
	v10 =	vimm.s32 $0x0;
	vm0 =	vmand vm14, vm13  }
0x39: {  	v10 =	vsel vm0, $0xFFFFFFFF, v10  }
0x3a: {  	v4 =	vsel vm0, v7, v4;
	[tilespmem:$0x1FFA0] =	vst v10;
	v10 =	vsel vm14, v8, v7  }
0x3b: {  	[tilespmem:$0x1FF90] =	vst v9;
	v9 =	vor.u32 $0xB, v3;
	v6 =	vld.idx.msk [tilespmem:v6+s2+$0x0], $0xffff;
	v4 =	vsel vm14, v4, v8;
	vm15 =	vgt.f32 v5, v10  }
0x3c: {  	vm4 =	vgt.f32 v5, v4;
	vm15 =	vmneg vm15  }
0x3d: {  	v8 =	vimm.s32 $0x0;
	vm0 =	vmand vm15, vm4  }
0x3e: {  	v8 =	vsel vm0, $0xFFFFFFFF, v8  }
0x3f: {  	v4 =	vsel vm0, v5, v4;
	[tilespmem:$0x1FFB0] =	vst v8;
	v8 =	vsel vm15, v10, v5  }
0x40: {  	v7 =	vor.u32 $0xC, v3;
	v9 =	vld.idx.msk [tilespmem:v9+s2+$0x0], $0xffff;
	v4 =	vsel vm15, v4, v10;
	vm5 =	vgt.f32 v6, v8  }
0x41: {  	vm13 =	vgt.f32 v6, v4;
	vm5 =	vmneg vm5  }
0x42: {  	v10 =	vimm.s32 $0x0;
	vm0 =	vmand vm5, vm13  }
0x43: {  	v10 =	vsel vm0, $0xFFFFFFFF, v10  }
0x44: {  	v4 =	vsel vm0, v6, v4;
	[tilespmem:$0x1FFC0] =	vst v10;
	v10 =	vsel vm5, v8, v6  }
0x45: {  	v5 =	vor.u32 $0xD, v3;
	v7 =	vld.idx.msk [tilespmem:v7+s2+$0x0], $0xffff;
	v4 =	vsel vm5, v4, v8;
	vm4 =	vgt.f32 v9, v10  }
0x46: {  	vm13 =	vgt.f32 v9, v4;
	vm4 =	vmneg vm4  }
0x47: {  	v8 =	vimm.s32 $0x0;
	vm0 =	vmand vm4, vm13  }
0x48: {  	v8 =	vsel vm0, $0xFFFFFFFF, v8  }
0x49: {  	v6 =	vor.u32 $0xE, v3;
	v4 =	vsel vm0, v9, v4;
	[tilespmem:$0x1FFD0] =	vst v8;
	v8 =	vsel vm4, v10, v9  }
0x4a: {  	v5 =	vld.idx.msk [tilespmem:v5+s2+$0x0], $0xffff;
	v4 =	vsel vm4, v4, v10;
	vm13 =	vgt.f32 v7, v8  }
0x4b: {  	vm3 =	vmneg vm13;
	vm13 =	vgt.f32 v7, v4  }
0x4c: {  	v10 =	vimm.s32 $0x0;
	vm0 =	vmand vm3, vm13  }
0x4d: {  	v10 =	vsel vm0, $0xFFFFFFFF, v10  }
0x4e: {  	v6 =	vld.idx.msk [tilespmem:v6+s2+$0x0], $0xffff;
	v4 =	vsel vm0, v7, v4;
	[tilespmem:$0x1FFE0] =	vst v10;
	v10 =	vsel vm3, v8, v7  }
0x4f: {  	v4 =	vsel vm3, v4, v8;
	vm13 =	vgt.f32 v5, v10  }
0x50: {  	v9 =	vor.u32 $0xF, v3;
	vm2 =	vmneg vm13;
	vm13 =	vgt.f32 v5, v4  }
0x51: {  	vm0 =	vmand vm2, vm13  }
0x52: {  	v8 =	vsel vm2, v10, v5;
	v4 =	vsel vm0, v5, v4  }
0x53: {  	v7 =	vimm.s32 $0x0;
	vm13 =	vgt.f32 v6, v8;
	v4 =	vsel vm2, v4, v10  }
0x54: {  	v7 =	vsel vm0, $0xFFFFFFFF, v7;
	vm1 =	vmneg vm13;
	vm13 =	vgt.f32 v6, v4  }
0x55: {  	[tilespmem:$0x1FFF0] =	vst v7;
	v7 =	vld.idx.msk [tilespmem:v9+s2+$0x0], $0xffff;
	vm13 =	vmand vm1, vm13  }
0x56: {  	v9 =	vld [tilespmem:$0x1FF30];
	v4 =	vsel vm13, v6, v4  }
0x57: {  	v6 =	vsel vm1, v8, v6;
	v4 =	vsel vm1, v4, v8;
	v8 =	vld [tilespmem:$0x1FF40];
	_ =	sdelay $0x3  }
0x58: {  	v5 =	vsel vm11, $0x1, v1;
	vm11 =	vnez.u8 v9  }
0x59: {  	v9 =	vsel vm11, $0x1, v1;
	vm11 =	vnez.u8 v8  }
0x5a: {  	v8 =	vsel vm11, $0x2, v9;
	v9 =	vld [tilespmem:$0x1FF50];
	_ =	sdelay $0x2  }
0x5b: {  	vm0 =	vgt.f32 v7, v6  }
0x5c: {  	vm0 =	vmneg vm0;
	vm11 =	vgt.f32 v7, v4;
	v8 =	vsel vm10, v8, v5  }
0x5d: {  	vm11 =	vmand vm0, vm11;
	v5 =	vnsel vm10, $0x2, v5;
	vm10 =	vnez.u8 v9  }
0x5e: {  	v4 =	vsel vm11, v7, v4;
	v8 =	vsel vm10, $0x3, v8  }
0x5f: {  	v4 =	vsel vm0, v4, v6;
	v6 =	vsel vm0, v6, v7;
	v7 =	vsel vm8, v8, v5;
	v8 =	vld [tilespmem:$0x1FF60];
	_ =	sdelay $0x4  }
0x60: {  	v5 =	vnsel vm8, $0x3, v5;
	vm8 =	vnez.u8 v8  }
0x61: {  	v7 =	vsel vm8, $0x4, v7  }
0x62: {  	v4 =	vsub.f32 v4, v6;
	v6 =	vsel vm6, v7, v5;
	v7 =	vld [tilespmem:$0x1FF70];
	_ =	sdelay $0x4  }
0x63: {  	vm10 =	vnez.u8 v7;
	v7 =	vld [tilespmem:$0x1FF80];
	_ =	sdelay $0x3  }
0x64: {  	v5 =	vnsel vm6, $0x4, v5;
	v6 =	vsel vm10, $0x5, v6  }
0x65: {  	v4 =	vmul.f32 $1.442695020e+00, v4;
	v6 =	vsel vm7, v6, v5;
	vm10 =	vnez.u8 v7  }
0x66: {  	v5 =	vnsel vm7, $0x5, v5;
	v6 =	vsel vm10, $0x6, v6  }
0x67: {  	(erf) = vpow2.f32 v4;
	v4 =	vsel vm9, v6, v5;
	v6 =	vld [tilespmem:$0x1FF90];
	_ =	sdelay $0x4  }
0x68: {  	vm10 =	vnez.u8 v6;
	v6 =	vld [tilespmem:$0x1FFA0];
	_ =	sdelay $0x3  }
0x69: {  	v5 =	vnsel vm9, $0x6, v5;
	v4 =	vsel vm10, $0x7, v4  }
0x6a: {  	v4 =	vsel vm12, v4, v5;
	v5 =	vnsel vm12, $0x7, v5;
	vm12 =	vnez.u8 v6;
	v6 =	vld [tilespmem:$0x1FFB0];
	_ =	sdelay $0x3  }
0x6b: {  	v7 =	vld [tilespmem:$0x1FFD0]  }
0x6c: {  	vm9 =	vnez.u8 v6;
	v6 =	vld [tilespmem:$0x1FFC0];
	_ =	sdelay $0x3  }
0x6d: {  	v4 =	vsel vm12, $0x8, v4  }
0x6e: {  	vm12 =	vnez.u8 v7;
	v4 =	vsel vm14, v4, v5;
	vm10 =	vnez.u8 v6;
	v6 =	vpop (erf)  }
0x6f: {  	s9 =	simm.s32 $0x4400;
	v7 =	vld [tilespmem:$0x1FFE0];
	v5 =	vnsel vm14, $0x8, v5;
	v4 =	vsel vm9, $0x9, v4;
	v6 =	vadd.f32 $1.000000000e+00, v6  }
0x70: {  	[tilespmem:s9+$0xFFFFFC80] =	vst v2;
	v4 =	vsel vm15, v4, v5  }
0x71: {  	[tilespmem:s9+$0xFFFFFD80] =	vst v2;
	v5 =	vnsel vm15, $0x9, v5;
	v4 =	vsel vm10, $0xA, v4;
	(erf) = vrcp.f32 v6;
	v6 =	vld [tilespmem:$0x1FFF0]  }
0x72: {  	[tilespmem:s9+$0xFFFFFE80] =	vst v2;
	v4 =	vsel vm5, v4, v5  }
0x73: {  	[tilespmem:s9+$0x0] =	vst v2;
	v5 =	vnsel vm5, $0xA, v5;
	v4 =	vsel vm12, $0xB, v4  }
0x74: {  	[tilespmem:s9+$0x100] =	vst v2;
	vm14 =	vnez.u8 v7;
	v4 =	vsel vm4, v4, v5  }
0x75: {  	[tilespmem:s9+$0xFFFFFE00] =	vst v2;
	v5 =	vnsel vm4, $0xB, v5;
	v4 =	vsel vm14, $0xC, v4  }
0x76: {  	[tilespmem:s9+$0x180] =	vst v2;
	v4 =	vsel vm3, v4, v5;
	vm15 =	vnez.u8 v6  }
0x77: {  	[tilespmem:s9+$0xFFFFFC00] =	vst v2;
	v5 =	vnsel vm3, $0xC, v5;
	v4 =	vsel vm15, $0xD, v4  }
0x78: {  	[tilespmem:s9+$0x200] =	vst v2;
	v4 =	vsel vm2, v4, v5;
	v5 =	vnsel vm2, $0xD, v5  }
0x79: {  	s10 =	simm.s32 $0x10;
	[tilespmem:s9+$0x280] =	vst v2;
	v4 =	vsel vm13, $0xE, v4;
	v6 =	vnsel vm1, $0xE, v5  }
0x7a: {  	[tilespmem:s9+$0x300] =	vst v2;
	v7 =	vmov s10;
	v4 =	vsel vm1, v4, v5;
	v5 =	vnsel vm0, $0xF, v6  }
0x7b: {  	[tilespmem:s9+$0x380] =	vst v2;
	v4 =	vsel vm11, $0xF, v4;
	v5 =	vor.u32 v3, v5  }
0x7c: {  	[tilespmem:s9+$0xFFFFFF00] =	vst v2;
	v4 =	vsel vm0, v4, v6;
	v6 =	vshll.u32 v7, $0x7  }
0x7d: {  	[tilespmem:s9+$0xFFFFFD00] =	vst v2;
	v7 =	vpop (erf);
	v4 =	vor.u32 v3, v4;
	v3 =	vor.u32 v0, v6  }
0x7e: {  	[tilespmem:s9+$0xFFFFFF80] =	vst v2;
	v6 =	vsub.f32 $1.000000000e+00, v7;
	v17 =	vor.u32 $0x1, v3;
	v16 =	vor.u32 $0x2, v3  }
0x7f: {  	[tilespmem:s9+$0x80] =	vst v2;
	v15 =	vor.u32 $0x3, v3;
	v14 =	vor.u32 $0x4, v3;
	v13 =	vor.u32 $0x5, v3  }
0x80: {  	s10 =	simm.s32 $0x20;
	v12 =	vor.u32 $0x6, v3;
	v10 =	vor.u32 $0x7, v3;
	[tilespmem:v5+s7+$0x0] =	vst.idx.msk $0xffff, v7;
	v5 =	vor.u32 $0x8, v3  }
.LBB2_2:
0x81: {  	p0 =	sne.s32 s10, $0x70  }
0x82: {  	v18 =	vor.u32 $0x9, v3;
	v11 =	vor.u32 $0xA, v3;
	v9 =	vor.u32 $0xB, v3;
	[tilespmem:v4+s7+$0x0] =	vst.idx.msk $0xffff, v6;
	s9 =	sadd.s32 $0x800, s9;
	s11 =	smov.u32 s10;
	s10 =	sadd.s32 $0x10, s10  }
0x83: {  	v8 =	vor.u32 $0xC, v3;
	v4 =	vor.u32 $0xD, v3;
	v6 =	vor.u32 $0xE, v3;
	v19 =	vld.idx.msk [tilespmem:v3+s2+$0x0], $0xffff  }
0x84: {  	v7 =	vor.u32 $0xF, v3  }
0x85: {  	v17 =	vld.idx.msk [tilespmem:v17+s2+$0x0], $0xffff;
	_ =	sdelay $0x2  }
0x86: {  	v16 =	vld.idx.msk [tilespmem:v16+s2+$0x0], $0xffff  }
0x87: {  	vm0 =	vgt.f32 v19, $-Inf  }
0x88: {  	v19 =	vnsel vm0, $0xFF800000, v19  }
0x89: {  	vm0 =	vgt.f32 v17, v19;
	vm1 =	vlt.f32 v17, $-Inf;
	vm2 =	vgt.f32 v17, $-Inf  }
0x8a: {  	vm3 =	vmneg vm0;
	vm1 =	vmor vm2, vm1;
	v15 =	vld.idx.msk [tilespmem:v15+s2+$0x0], $0xffff  }
0x8b: {  	vm1 =	vmand vm1, vm3;
	v20 =	vsel vm3, v19, v17  }
0x8c: {  	v17 =	vnsel vm1, $0xFF800000, v17;
	vm2 =	vgt.f32 v16, v20  }
0x8d: {  	v17 =	vsel vm3, v17, v19  }
0x8e: {  	v19 =	vsel vm0, $0x1, v1;
	vm0 =	vmneg vm2;
	vm2 =	vgt.f32 v16, v17  }
0x8f: {  	v21 =	vsel vm1, $0x1, v1;
	v22 =	vsel vm0, v20, v16;
	vm1 =	vmand vm0, vm2;
	v14 =	vld.idx.msk [tilespmem:v14+s2+$0x0], $0xffff  }
0x90: {  	v16 =	vsel vm1, v16, v17;
	v17 =	vsel vm1, $0x2, v21;
	vm1 =	vgt.f32 v15, v22  }
0x91: {  	v16 =	vsel vm0, v16, v20;
	v17 =	vsel vm0, v17, v19  }
0x92: {  	vm1 =	vmneg vm1;
	vm2 =	vgt.f32 v15, v16;
	v13 =	vld.idx.msk [tilespmem:v13+s2+$0x0], $0xffff  }
0x93: {  	v19 =	vnsel vm0, $0x2, v19;
	vm0 =	vmand vm1, vm2  }
0x94: {  	v16 =	vsel vm0, v15, v16;
	v17 =	vsel vm0, $0x3, v17;
	v15 =	vsel vm1, v22, v15  }
0x95: {  	v16 =	vsel vm1, v16, v22;
	v17 =	vsel vm1, v17, v19;
	vm0 =	vgt.f32 v14, v15  }
0x96: {  	vm0 =	vmneg vm0;
	vm2 =	vgt.f32 v14, v16;
	v12 =	vld.idx.msk [tilespmem:v12+s2+$0x0], $0xffff  }
0x97: {  	v19 =	vnsel vm1, $0x3, v19;
	vm1 =	vmand vm0, vm2;
	v20 =	vsel vm0, v15, v14  }
0x98: {  	v14 =	vsel vm1, v14, v16;
	v16 =	vsel vm1, $0x4, v17;
	vm1 =	vgt.f32 v13, v20  }
0x99: {  	v14 =	vsel vm0, v14, v15;
	v15 =	vsel vm0, v16, v19  }
0x9a: {  	v16 =	vnsel vm0, $0x4, v19;
	vm0 =	vmneg vm1;
	vm1 =	vgt.f32 v13, v14;
	v10 =	vld.idx.msk [tilespmem:v10+s2+$0x0], $0xffff  }
0x9b: {  	v17 =	vsel vm0, v20, v13;
	v19 =	vnsel vm0, $0x5, v16;
	vm1 =	vmand vm0, vm1  }
0x9c: {  	v13 =	vsel vm1, v13, v14;
	v14 =	vsel vm1, $0x5, v15;
	vm1 =	vgt.f32 v12, v17  }
0x9d: {  	v13 =	vsel vm0, v13, v20;
	v14 =	vsel vm0, v14, v16  }
0x9e: {  	vm0 =	vmneg vm1;
	vm1 =	vgt.f32 v12, v13  }
0x9f: {  	v15 =	vsel vm0, v17, v12;
	v16 =	vnsel vm0, $0x6, v19;
	vm1 =	vmand vm0, vm1;
	v5 =	vld.idx.msk [tilespmem:v5+s2+$0x0], $0xffff  }
0xa0: {  	v12 =	vsel vm1, v12, v13;
	v13 =	vsel vm1, $0x6, v14;
	vm1 =	vgt.f32 v10, v15  }
0xa1: {  	v12 =	vsel vm0, v12, v17;
	v13 =	vsel vm0, v13, v19  }
0xa2: {  	vm0 =	vmneg vm1;
	vm1 =	vgt.f32 v10, v12;
	v14 =	vld.idx.msk [tilespmem:v18+s2+$0x0], $0xffff  }
0xa3: {  	vm1 =	vmand vm0, vm1  }
0xa4: {  	v12 =	vsel vm1, v10, v12;
	v13 =	vsel vm1, $0x7, v13;
	v10 =	vsel vm0, v15, v10  }
0xa5: {  	v12 =	vsel vm0, v12, v15;
	v13 =	vsel vm0, v13, v16;
	vm1 =	vgt.f32 v5, v10  }
0xa6: {  	vm1 =	vmneg vm1;
	vm2 =	vgt.f32 v5, v12;
	v11 =	vld.idx.msk [tilespmem:v11+s2+$0x0], $0xffff  }
0xa7: {  	v15 =	vnsel vm0, $0x7, v16;
	vm0 =	vmand vm1, vm2;
	v16 =	vsel vm1, v10, v5  }
0xa8: {  	v5 =	vsel vm0, v5, v12;
	v12 =	vsel vm0, $0x8, v13;
	vm0 =	vgt.f32 v14, v16  }
0xa9: {  	v5 =	vsel vm1, v5, v10;
	v10 =	vsel vm1, v12, v15  }
0xaa: {  	v12 =	vnsel vm1, $0x8, v15;
	vm0 =	vmneg vm0;
	vm1 =	vgt.f32 v14, v5  }
0xab: {  	v13 =	vsel vm0, v16, v14;
	v15 =	vnsel vm0, $0x9, v12;
	vm1 =	vmand vm0, vm1;
	v9 =	vld.idx.msk [tilespmem:v9+s2+$0x0], $0xffff  }
0xac: {  	v5 =	vsel vm1, v14, v5;
	v10 =	vsel vm1, $0x9, v10;
	vm1 =	vgt.f32 v11, v13  }
0xad: {  	v5 =	vsel vm0, v5, v16;
	v10 =	vsel vm0, v10, v12  }
0xae: {  	vm0 =	vmneg vm1;
	vm1 =	vgt.f32 v11, v5;
	v8 =	vld.idx.msk [tilespmem:v8+s2+$0x0], $0xffff  }
0xaf: {  	v12 =	vsel vm0, v13, v11;
	v14 =	vnsel vm0, $0xA, v15;
	vm1 =	vmand vm0, vm1  }
0xb0: {  	v5 =	vsel vm1, v11, v5;
	v10 =	vsel vm1, $0xA, v10;
	v7 =	vld.idx.msk [tilespmem:v7+s2+$0x0], $0xffff  }
0xb1: {  	v5 =	vsel vm0, v5, v13;
	v10 =	vsel vm0, v10, v15;
	vm0 =	vgt.f32 v9, v12;
	v6 =	vld.idx.msk [tilespmem:v6+s2+$0x0], $0xffff  }
0xb2: {  	vm0 =	vmneg vm0;
	vm1 =	vgt.f32 v9, v5;
	v4 =	vld.idx.msk [tilespmem:v4+s2+$0x0], $0xffff  }
0xb3: {  	vm1 =	vmand vm0, vm1;
	v11 =	vsel vm0, v12, v9;
	[tilespmem:s9+$0xFFFFFC80] =	vst v2  }
0xb4: {  	v5 =	vsel vm1, v9, v5;
	v9 =	vsel vm1, $0xB, v10;
	vm1 =	vgt.f32 v8, v11;
	[tilespmem:s9+$0xFFFFFD80] =	vst v2  }
0xb5: {  	v5 =	vsel vm0, v5, v12;
	v9 =	vsel vm0, v9, v14;
	[tilespmem:s9+$0xFFFFFE80] =	vst v2  }
0xb6: {  	vm1 =	vmneg vm1;
	vm2 =	vgt.f32 v8, v5;
	[tilespmem:s9+$0x0] =	vst v2  }
0xb7: {  	v10 =	vnsel vm0, $0xB, v14;
	v12 =	vsel vm1, v11, v8;
	vm0 =	vmand vm1, vm2;
	[tilespmem:s9+$0x100] =	vst v2  }
0xb8: {  	v5 =	vsel vm0, v8, v5;
	v8 =	vsel vm0, $0xC, v9;
	vm0 =	vgt.f32 v4, v12;
	[tilespmem:s9+$0xFFFFFE00] =	vst v2  }
0xb9: {  	v5 =	vsel vm1, v5, v11;
	v8 =	vsel vm1, v8, v10;
	[tilespmem:s9+$0x180] =	vst v2  }
0xba: {  	vm0 =	vmneg vm0;
	vm2 =	vgt.f32 v4, v5;
	[tilespmem:s9+$0xFFFFFC00] =	vst v2  }
0xbb: {  	v9 =	vnsel vm1, $0xC, v10;
	v10 =	vsel vm0, v12, v4;
	vm1 =	vmand vm0, vm2;
	[tilespmem:s9+$0x200] =	vst v2  }
0xbc: {  	v4 =	vsel vm1, v4, v5;
	v5 =	vsel vm1, $0xD, v8;
	vm1 =	vgt.f32 v6, v10;
	[tilespmem:s9+$0x280] =	vst v2  }
0xbd: {  	v4 =	vsel vm0, v4, v12;
	v5 =	vsel vm0, v5, v9;
	[tilespmem:s9+$0x300] =	vst v2  }
0xbe: {  	vm1 =	vmneg vm1;
	vm2 =	vgt.f32 v6, v4;
	[tilespmem:s9+$0x380] =	vst v2  }
0xbf: {  	v8 =	vsel vm1, v10, v6;
	vm2 =	vmand vm1, vm2;
	[tilespmem:s9+$0xFFFFFF00] =	vst v2  }
0xc0: {  	v4 =	vsel vm2, v6, v4;
	v5 =	vsel vm2, $0xE, v5;
	vm2 =	vgt.f32 v7, v8;
	[tilespmem:s9+$0xFFFFFD00] =	vst v2  }
0xc1: {  	v6 =	vnsel vm0, $0xD, v9;
	v4 =	vsel vm1, v4, v10;
	[tilespmem:s9+$0xFFFFFF80] =	vst v2  }
0xc2: {  	v9 =	vnsel vm1, $0xE, v6;
	vm0 =	vmneg vm2;
	vm2 =	vgt.f32 v7, v4;
	[tilespmem:s9+$0x80] =	vst v2  }
0xc3: {  	v5 =	vsel vm1, v5, v6;
	v6 =	vnsel vm0, $0xF, v9;
	vm1 =	vmand vm0, vm2  }
0xc4: {  	v6 =	vor.u32 v3, v6;
	v4 =	vsel vm1, v7, v4;
	v5 =	vsel vm1, $0xF, v5  }
0xc5: {  	v7 =	vsel vm0, v8, v7;
	v4 =	vsel vm0, v4, v8;
	v5 =	vsel vm0, v5, v9  }
0xc6: {  	v7 =	vsub.f32 v4, v7;
	v4 =	vor.u32 v3, v5;
	_ =	sdelay $0x1  }
0xc7: {  	v3 =	vmul.f32 $1.442695020e+00, v7;
	_ =	sdelay $0x1  }
0xc8: {  	(erf) = vpow2.f32 v3;
	_ =	sdelay $0x8  }
0xc9: {  	v3 =	vpop (erf)  }
0xca: {  	v3 =	vadd.f32 $1.000000000e+00, v3;
	_ =	sdelay $0x1  }
0xcb: {  	(erf) = vrcp.f32 v3;
	_ =	sdelay $0x5  }
0xcc: {  	v3 =	vmov s11  }
.Ltmp0:
0xcd: {  	v3 =	vshll.u32 v3, $0x7;
	(pc) =	sbr.rel @p0 .LBB2_2-.Ltmp0, $4  }
0xce: {  	v3 =	vor.u32 v0, v3  }
0xcf: {  	v17 =	vor.u32 $0x1, v3;
	v16 =	vor.u32 $0x2, v3;
	v15 =	vor.u32 $0x3, v3;
	v5 =	vpop (erf)  }
0xd0: {  	v14 =	vor.u32 $0x4, v3;
	v13 =	vor.u32 $0x5, v3;
	[tilespmem:v6+s7+$0x0] =	vst.idx.msk $0xffff, v5;
	v6 =	vsub.f32 $1.000000000e+00, v5  }
0xd1: {  	v12 =	vor.u32 $0x6, v3;
	v10 =	vor.u32 $0x7, v3;
	v5 =	vor.u32 $0x8, v3  }
0xd2: {  	_ =	sdelay $0x3  }
0xd3: {  	[tilespmem:v4+s7+$0x0] =	vst.idx.msk $0xffff, v6  }
0xd4: {  	v4 =	vld.idx.msk [tilespmem:v3+s2+$0x0], $0xffff;
	_ =	sdelay $0x1  }
0xd5: {  	v6 =	vld.idx.msk [tilespmem:v17+s2+$0x0], $0xffff;
	_ =	sdelay $0x2  }
0xd6: {  	vm0 =	vgt.f32 v4, $-Inf  }
0xd7: {  	v7 =	vld.idx.msk [tilespmem:v16+s2+$0x0], $0xffff;
	v4 =	vnsel vm0, $0xFF800000, v4  }
0xd8: {  	vm12 =	vlt.f32 v6, $-Inf;
	vm1 =	vgt.f32 v6, $-Inf;
	vm15 =	vgt.f32 v6, v4  }
0xd9: {  	vm0 =	vmor vm1, vm12;
	vm2 =	vmneg vm15  }
0xda: {  	vm1 =	vmand vm0, vm2  }
0xdb: {  	v8 =	vld.idx.msk [tilespmem:v15+s2+$0x0], $0xffff;
	v9 =	vsel vm2, v4, v6;
	v6 =	vnsel vm1, $0xFF800000, v6  }
0xdc: {  	vm13 =	vgt.f32 v7, v9;
	v4 =	vsel vm2, v6, v4  }
0xdd: {  	vm13 =	vmneg vm13;
	vm14 =	vgt.f32 v7, v4  }
0xde: {  	vm0 =	vmand vm13, vm14  }
0xdf: {  	v11 =	vld.idx.msk [tilespmem:v14+s2+$0x0], $0xffff;
	v61 =	vsel vm13, v9, v7;
	v4 =	vsel vm0, v7, v4  }
0xe0: {  	vm4 =	vgt.f32 v8, v61;
	v4 =	vsel vm13, v4, v9  }
0xe1: {  	v60 =	vimm.s32 $0x0;
	vm11 =	vmneg vm4;
	vm5 =	vgt.f32 v8, v4  }
0xe2: {  	v6 =	vsel vm0, $0xFFFFFFFF, v60;
	vm0 =	vmand vm11, vm5  }
0xe3: {  	v63 =	vld.idx.msk [tilespmem:v13+s2+$0x0], $0xffff;
	v4 =	vsel vm0, v8, v4;
	v8 =	vsel vm11, v61, v8  }
0xe4: {  	v4 =	vsel vm11, v4, v61;
	vm6 =	vgt.f32 v11, v8  }
0xe5: {  	v62 =	vimm.s32 $0x0;
	vm10 =	vmneg vm6;
	vm7 =	vgt.f32 v11, v4  }
0xe6: {  	v7 =	vsel vm0, $0xFFFFFFFF, v62;
	vm0 =	vmand vm10, vm7  }
0xe7: {  	v12 =	vld.idx.msk [tilespmem:v12+s2+$0x0], $0xffff;
	v13 =	vsel vm10, v8, v11;
	v4 =	vsel vm0, v11, v4  }
0xe8: {  	vm8 =	vgt.f32 v63, v13;
	v4 =	vsel vm10, v4, v8  }
0xe9: {  	v9 =	vimm.s32 $0x0;
	vm8 =	vmneg vm8;
	vm9 =	vgt.f32 v63, v4  }
0xea: {  	[tilespmem:$0x1FE70] =	vst v6;
	v6 =	vsel vm0, $0xFFFFFFFF, v9;
	vm0 =	vmand vm8, vm9  }
0xeb: {  	v15 =	vld.idx.msk [tilespmem:v10+s2+$0x0], $0xffff;
	v16 =	vsel vm8, v13, v63;
	v4 =	vsel vm0, v63, v4  }
0xec: {  	vm12 =	vgt.f32 v12, v16;
	v4 =	vsel vm8, v4, v13  }
0xed: {  	v14 =	vimm.s32 $0x0;
	vm9 =	vmneg vm12;
	vm14 =	vgt.f32 v12, v4  }
0xee: {  	v17 =	vor.u32 $0x9, v3;
	v8 =	vsel vm0, $0xFFFFFFFF, v14;
	vm0 =	vmand vm9, vm14  }
0xef: {  	v5 =	vld.idx.msk [tilespmem:v5+s2+$0x0], $0xffff;
	v19 =	vsel vm9, v16, v12;
	v4 =	vsel vm0, v12, v4  }
0xf0: {  	vm4 =	vgt.f32 v15, v19;
	v4 =	vsel vm9, v4, v16  }
0xf1: {  	v18 =	vimm.s32 $0x0;
	vm12 =	vmneg vm4;
	vm5 =	vgt.f32 v15, v4  }
0xf2: {  	v20 =	vor.u32 $0xA, v3;
	[tilespmem:$0x1FE80] =	vst v7;
	v9 =	vsel vm0, $0xFFFFFFFF, v18;
	vm0 =	vmand vm12, vm5  }
0xf3: {  	v7 =	vld.idx.msk [tilespmem:v17+s2+$0x0], $0xffff;
	[tilespmem:$0x1FEA0] =	vst v8;
	v8 =	vsel vm12, v19, v15;
	v4 =	vsel vm0, v15, v4  }
0xf4: {  	vm6 =	vgt.f32 v5, v8;
	v4 =	vsel vm12, v4, v19  }
0xf5: {  	v21 =	vimm.s32 $0x0;
	vm14 =	vmneg vm6;
	vm7 =	vgt.f32 v5, v4  }
0xf6: {  	v22 =	vor.u32 $0xB, v3;
	v10 =	vsel vm0, $0xFFFFFFFF, v21;
	vm0 =	vmand vm14, vm7  }
0xf7: {  	[tilespmem:$0x1FE90] =	vst v6;
	v6 =	vld.idx.msk [tilespmem:v20+s2+$0x0], $0xffff;
	v24 =	vsel vm14, v8, v5;
	v4 =	vsel vm0, v5, v4  }
0xf8: {  	vm4 =	vgt.f32 v7, v24;
	v4 =	vsel vm14, v4, v8  }
0xf9: {  	v23 =	vimm.s32 $0x0;
	vm7 =	vmneg vm4;
	vm5 =	vgt.f32 v7, v4  }
0xfa: {  	v25 =	vor.u32 $0xC, v3;
	[tilespmem:$0x1FEC0] =	vst v10;
	v10 =	vsel vm0, $0xFFFFFFFF, v23;
	vm0 =	vmand vm7, vm5  }
0xfb: {  	[tilespmem:$0x1FEB0] =	vst v9;
	v9 =	vld.idx.msk [tilespmem:v22+s2+$0x0], $0xffff;
	v27 =	vsel vm7, v24, v7;
	v4 =	vsel vm0, v7, v4  }
0xfc: {  	vm6 =	vgt.f32 v6, v27;
	v4 =	vsel vm7, v4, v24  }
0xfd: {  	v26 =	vimm.s32 $0x0;
	vm6 =	vmneg vm6;
	vm4 =	vgt.f32 v6, v4  }
0xfe: {  	v28 =	vor.u32 $0xD, v3;
	v8 =	vsel vm0, $0xFFFFFFFF, v26;
	vm0 =	vmand vm6, vm4  }
0xff: {  	v5 =	vld.idx.msk [tilespmem:v25+s2+$0x0], $0xffff;
	v30 =	vsel vm6, v27, v6;
	v4 =	vsel vm0, v6, v4  }
0x100: {  	vm5 =	vgt.f32 v9, v30;
	v4 =	vsel vm6, v4, v27  }
0x101: {  	v29 =	vimm.s32 $0x0;
	vm5 =	vmneg vm5;
	vm4 =	vgt.f32 v9, v4  }
0x102: {  	v31 =	vor.u32 $0xE, v3;
	[tilespmem:$0x1FED0] =	vst v10;
	v10 =	vsel vm0, $0xFFFFFFFF, v29;
	vm0 =	vmand vm5, vm4  }
0x103: {  	v7 =	vld.idx.msk [tilespmem:v28+s2+$0x0], $0xffff;
	v33 =	vsel vm5, v30, v9;
	v4 =	vsel vm0, v9, v4  }
0x104: {  	v32 =	vimm.s32 $0x0;
	vm4 =	vgt.f32 v5, v33;
	v4 =	vsel vm5, v4, v30  }
0x105: {  	[tilespmem:$0x1FEE0] =	vst v8;
	v8 =	vsel vm0, $0xFFFFFFFF, v32;
	vm4 =	vmneg vm4;
	vm0 =	vgt.f32 v5, v4  }
0x106: {  	v34 =	vor.u32 $0xF, v3;
	vm0 =	vmand vm4, vm0  }
0x107: {  	v35 =	vimm.s32 $0x0;
	v6 =	vld.idx.msk [tilespmem:v31+s2+$0x0], $0xffff;
	v36 =	vsel vm4, v33, v5;
	v4 =	vsel vm0, v5, v4  }
0x108: {  	[tilespmem:$0x1FEF0] =	vst v10;
	v10 =	vsel vm0, $0xFFFFFFFF, v35;
	vm0 =	vgt.f32 v7, v36;
	v4 =	vsel vm4, v4, v33  }
0x109: {  	v42 =	vld [tilespmem:$0x1FE70];
	vm3 =	vmneg vm0;
	vm0 =	vgt.f32 v7, v4  }
0x10a: {  	v37 =	vimm.s32 $0x0;
	vm0 =	vmand vm3, vm0  }
0x10b: {  	v38 =	vld.idx.msk [tilespmem:v34+s2+$0x0], $0xffff;
	v40 =	vsel vm15, $0x1, v1;
	v39 =	vsel vm3, v36, v7;
	v4 =	vsel vm0, v7, v4  }
0x10c: {  	v44 =	vld [tilespmem:$0x1FE80];
	v5 =	vsel vm0, $0xFFFFFFFF, v37;
	vm0 =	vgt.f32 v6, v39;
	v4 =	vsel vm3, v4, v36  }
0x10d: {  	v41 =	vsel vm1, $0x1, v1;
	v45 =	vld [tilespmem:$0x1FE90];
	vm2 =	vmneg vm0;
	vm0 =	vgt.f32 v6, v4  }
0x10e: {  	v7 =	vnsel vm13, $0x2, v40;
	vm15 =	vmand vm2, vm0;
	vm0 =	vnez.u8 v42  }
0x10f: {  	v4 =	vsel vm15, v6, v4;
	v6 =	vsel vm2, v39, v6;
	v9 =	vsel vm0, $0x2, v41  }
0x110: {  	v48 =	vld [tilespmem:$0x1FEA0];
	v4 =	vsel vm2, v4, v39;
	vm0 =	vgt.f32 v38, v6;
	v43 =	vsel vm13, v9, v40  }
0x111: {  	vm13 =	vnez.u8 v44;
	vm1 =	vmneg vm0;
	vm0 =	vgt.f32 v38, v4  }
0x112: {  	v49 =	vld [tilespmem:$0x1FEB0];
	[tilespmem:$0x1FF00] =	vst v8;
	v8 =	vsel vm13, $0x3, v43;
	vm13 =	vnez.u8 v45;
	vm0 =	vmand vm1, vm0  }
0x113: {  	v8 =	vsel vm11, v8, v7;
	v7 =	vnsel vm11, $0x3, v7;
	v4 =	vsel vm0, v38, v4  }
0x114: {  	v52 =	vld [tilespmem:$0x1FEC0];
	[tilespmem:$0x1FF20] =	vst v5;
	v5 =	vsel vm1, v6, v38;
	v8 =	vsel vm13, $0x4, v8;
	v4 =	vsel vm1, v4, v6  }
0x115: {  	vm13 =	vnez.u8 v48;
	v46 =	vsel vm10, v8, v7;
	v4 =	vsub.f32 v4, v5  }
0x116: {  	v53 =	vld [tilespmem:$0x1FED0];
	v47 =	vnsel vm10, $0x4, v7;
	v5 =	vsel vm13, $0x5, v46  }
0x117: {  	vm13 =	vnez.u8 v49;
	v5 =	vsel vm8, v5, v47;
	v4 =	vmul.f32 $1.442695020e+00, v4  }
0x118: {  	v54 =	vld [tilespmem:$0x1FEE0];
	v6 =	vnsel vm8, $0x5, v47;
	v5 =	vsel vm13, $0x6, v5  }
0x119: {  	vm13 =	vnez.u8 v52;
	v50 =	vsel vm9, v5, v6;
	(erf) = vpow2.f32 v4  }
0x11a: {  	v55 =	vld [tilespmem:$0x1FEF0];
	v51 =	vnsel vm9, $0x6, v6;
	v4 =	vsel vm13, $0x7, v50  }
0x11b: {  	vm13 =	vnez.u8 v53;
	v4 =	vsel vm12, v4, v51  }
0x11c: {  	v56 =	vld [tilespmem:$0x1FF00];
	v5 =	vnsel vm12, $0x7, v51;
	v4 =	vsel vm13, $0x8, v4  }
0x11d: {  	[tilespmem:$0x1FF10] =	vst v10;
	v4 =	vsel vm14, v4, v5;
	v5 =	vnsel vm14, $0x8, v5;
	vm14 =	vnez.u8 v54  }
0x11e: {  	v58 =	vld [tilespmem:$0x1FF10];
	v4 =	vsel vm14, $0x9, v4  }
0x11f: {  	s9 =	sadd.s32 $0x800, s9;
	vm11 =	vnez.u8 v55;
	v4 =	vsel vm7, v4, v5  }
0x120: {  	[tilespmem:s9+$0xFFFFFC80] =	vst v2;
	v59 =	vld [tilespmem:$0x1FF20];
	v5 =	vnsel vm7, $0x9, v5;
	v4 =	vsel vm11, $0xA, v4  }
0x121: {  	[tilespmem:s9+$0xFFFFFD80] =	vst v2;
	vm12 =	vnez.u8 v56;
	v4 =	vsel vm6, v4, v5  }
0x122: {  	[tilespmem:s9+$0xFFFFFE80] =	vst v2;
	v5 =	vnsel vm6, $0xA, v5;
	v4 =	vsel vm12, $0xB, v4;
	v57 =	vpop (erf)  }
0x123: {  	[tilespmem:s9+$0x0] =	vst v2;
	vm13 =	vnez.u8 v58;
	v4 =	vsel vm5, v4, v5;
	v6 =	vadd.f32 $1.000000000e+00, v57  }
0x124: {  	[tilespmem:s9+$0x100] =	vst v2;
	v5 =	vnsel vm5, $0xB, v5;
	v4 =	vsel vm13, $0xC, v4  }
0x125: {  	[tilespmem:s9+$0xFFFFFE00] =	vst v2;
	vm14 =	vnez.u8 v59;
	v4 =	vsel vm4, v4, v5;
	(erf) = vrcp.f32 v6  }
0x126: {  	[tilespmem:s9+$0x180] =	vst v2;
	v5 =	vnsel vm4, $0xC, v5;
	v4 =	vsel vm14, $0xD, v4  }
0x127: {  	[tilespmem:s9+$0xFFFFFC00] =	vst v2;
	v4 =	vsel vm3, v4, v5  }
0x128: {  	[tilespmem:s9+$0x200] =	vst v2;
	v5 =	vnsel vm3, $0xD, v5;
	v4 =	vsel vm15, $0xE, v4  }
0x129: {  	[tilespmem:s9+$0x280] =	vst v2;
	v60 =	vnsel vm2, $0xE, v5;
	v4 =	vsel vm2, v4, v5  }
0x12a: {  	[tilespmem:s9+$0x300] =	vst v2;
	v61 =	vnsel vm1, $0xF, v60;
	v4 =	vsel vm0, $0xF, v4  }
0x12b: {  	[tilespmem:s9+$0x380] =	vst v2;
	v5 =	vor.u32 v3, v61;
	v4 =	vsel vm1, v4, v60  }
0x12c: {  	[tilespmem:s9+$0xFFFFFF00] =	vst v2;
	v3 =	vor.u32 v3, v4  }
0x12d: {  	[tilespmem:s9+$0xFFFFFD00] =	vst v2  }
0x12e: {  	[tilespmem:s9+$0xFFFFFF80] =	vst v2;
	v62 =	vpop (erf)  }
0x12f: {  	s8 =	sadd.s32 $0x1, s8;
	[tilespmem:s9+$0x80] =	vst v2;
	v63 =	vsub.f32 $1.000000000e+00, v62  }
0x130: {  	p0 =	sne.s32 s8, s5;
	[tilespmem:v5+s7+$0x0] =	vst.idx.msk $0xffff, v62  }
.Ltmp1:
0x131: {  	[tilespmem:v3+s7+$0x0] =	vst.idx.msk $0xffff, v63;
	(pc) =	sbr.rel @p0 .LBB2_1-.Ltmp1, $4  }
0x132: {  	[hbm4b:s4+s2] =	stream.linear.scatter [tilespmem:s7], [sflag:$0x1], $0x4000, $0x38;
	[tilespmem:$0x8000] =	vst v63  }
0x133: {  	_ =	swait.ge [sflag:s6], $0x4000  }
0x134: {  	[sflag:s6] =	ssyncset.done $0x0  }
0x135: {  	[sflag:s6] =	ssyncadd.s32 $0xFFFFC000  }
0x136: {  	_ =	sfence.sel $0x180000  }
0x137: {  	[bflag:$0x0] =	sbarrier.arrive $0xFFFF  }
0x138: {  	p0 =	sne.s32 s1, $0x0;
	_ =	strace $0x90000047  }
0x139: {  	s0 =	sadd.s32 @!p0 $0x100000, s0;
	[bflag:$0x2] =	sbarrier.arrive $0xFFFF  }
0x13a: {  	[sflag:s0] =	ssyncadd.tile.s32 @!p0 $0x1;
	_ =	shalt  }
.Lfunc_end2:
_tile_overlayer_lowered:
.L_overlay_start_2:
0x13b: {  	(tag) =	ssettag $0x2  }
0x13c: {  	s0 =	rddreg [dreg:$0x0];
	s2 =	stileid.u32  }
0x13d: {  	s1 =	rddreg [dreg:$0x1];
	p0 =	sne.s32 s2, $0x0  }
0x13e: {  	s3 =	rddreg [dreg:$0x2];
	[bflag:$0x3] =	sbarrier.arrive $0xFFFF;
	s2 =	simm.s32 @!p0 $0x1C01  }
0x13f: {  	[timem:s3], [sflag:s2] =	dma.local @!p0 [hbm:s0], s1  }
0x140: {  	s0 =	simm.s32 @!p0 $0x1  }
0x141: {  	_ =	swait.ge @!p0 [sflag:s0], s1  }
0x142: {  	s1 =	ssub.s32 @!p0 $0x0, s1;
	[sflag:s0] =	ssyncset.done @!p0 $0x0  }
0x143: {  	[sflag:s0] =	ssyncadd.s32 @!p0 s1  }
0x144: {  	[bflag:$0x3] =	sbarrier.arrive $0xFFFF  }
0x145: {  	_ =	shalt  }

</sc_bundles>
